<compile_context>
chip_gen: v7x
topology: tpu7x:2x2x1
jax: 0.10.2.dev20260603
libtpu: 0.0.44.dev20260713+nightly
codegen_flags: <defaults>
</compile_context>

<pallas_src>
import functools

import jax
import jax.numpy as jnp
from jax import lax
from jax.experimental import pallas as pl
from jax.experimental.pallas import tpu as pltpu
from jax.experimental.pallas import tpu_sc as plsc

N = 10000
E = 320000
D = 128

NC = 2
NS = 16
NW = NC * NS
K = 80
CT = 128
NP = 8
CTP = CT // NP
NB = 4
EPT = CT * K
NPAD = 10112
RPT = NPAD // NS
PADIDX = 10008

_mesh = plsc.VectorSubcoreMesh(core_axis_name="c", subcore_axis_name="s")


DR = EPT // 128
NV = EPT // 16


@functools.partial(
    pl.kernel,
    out_type=jax.ShapeDtypeStruct((NC, DR, 128), jnp.float32),
    mesh=_mesh,
    compiler_params=pltpu.CompilerParams(needs_layout_passes=False),
    scratch_types=[
        pltpu.VMEM((EPT,), jnp.int32),
        pltpu.VMEM((DR, 128), jnp.float32),
        pltpu.VMEM((DR,), jnp.int32),
        pltpu.VMEM_SHARED((DR, 128), jnp.float32),
    ],
)
def _deg_kernel(dst_hbm, degp_hbm, idx_v, counts_v, rowidx_v, counts_sh):
    cid = lax.axis_index("c")
    sid = lax.axis_index("s")
    w = cid * NS + sid
    pltpu.sync_copy(dst_hbm.at[w], idx_v)

    def zero(i, c):
        counts_v[i >> 3, pl.ds((i & 7) * 16, 16)] = jnp.zeros((16,),
                                                              jnp.float32)
        return c

    lax.fori_loop(0, NV, zero, 0)
    for i in range(DR // 16):
        rowidx_v[pl.ds(16 * i, 16)] = lax.iota(jnp.int32, 16) + 16 * i

    @pl.when(sid == 0)
    def _():
        pltpu.sync_copy(counts_v, counts_sh)

    plsc.subcore_barrier()

    ones16 = jnp.ones((16,), jnp.float32)

    def count(i, c):
        idx16 = idx_v[pl.ds(i * 16, 16)]
        row16 = lax.shift_right_logical(idx16, 7)
        col16 = lax.bitwise_and(idx16, 127)
        plsc.addupdate_scatter(counts_v, [row16, col16], ones16)
        return c

    lax.fori_loop(0, NV, count, 0)
    plsc.subcore_barrier()
    pltpu.sync_copy(counts_v, counts_sh.at[rowidx_v], add=True)
    plsc.subcore_barrier()

    @pl.when(sid == 0)
    def _():
        pltpu.sync_copy(counts_sh, degp_hbm.at[cid])


@functools.partial(
    pl.kernel,
    out_type=jax.ShapeDtypeStruct((NC, NPAD, D), jnp.float32),
    mesh=_mesh,
    scratch_types=[
        pltpu.VMEM((CTP, K), jnp.int32),
        pltpu.VMEM((CTP, K), jnp.int32),
        [pltpu.VMEM((K, D), jnp.float32)] * NB,
        pltpu.VMEM_SHARED((NPAD, D), jnp.float32),
        [pltpu.SemaphoreType.DMA] * NB,
        [pltpu.SemaphoreType.DMA] * NB,
    ],
)
def _scatter_kernel(y_hbm, src_hbm, dst_hbm, zeros_hbm, sp_hbm,
                    src_v, dst_v, rows, accum, gsem, ssem):
    cid = lax.axis_index("c")
    sid = lax.axis_index("s")
    w = cid * NS + sid
    pltpu.sync_copy(zeros_hbm, accum.at[pl.ds(sid * RPT, RPT)])
    plsc.subcore_barrier()

    def gather(j, b):
        return pltpu.async_copy(y_hbm.at[src_v.at[j]], rows[b], gsem[b])

    def phase(p, carry):
        pltpu.sync_copy(src_hbm.at[w, pl.ds(p * CTP, CTP)], src_v)
        pltpu.sync_copy(dst_hbm.at[w, pl.ds(p * CTP, CTP)], dst_v)
        for b in range(NB):
            gather(b, b)

        def body(t, c2):
            for b in range(NB):
                j = NB * t + b
                pltpu.make_async_copy(y_hbm.at[src_v.at[j]], rows[b],
                                      gsem[b]).wait()
                pltpu.async_copy(rows[b], accum.at[dst_v.at[j]], ssem[b],
                                 add=True)
                pltpu.make_async_copy(rows[b], accum.at[dst_v.at[j]],
                                      ssem[b]).wait()

                @pl.when(j + NB < CTP)
                def _():
                    gather(j + NB, b)

            return c2

        lax.fori_loop(0, CTP // NB, body, 0)
        return carry

    lax.fori_loop(0, NP, phase, 0)
    plsc.subcore_barrier()
    pltpu.sync_copy(accum.at[pl.ds(sid * RPT, RPT)],
                    sp_hbm.at[cid, pl.ds(sid * RPT, RPT)])


def _linear_body(x_ref, w_ref, d0_ref, d1_ref, y_ref, dis_ref, xn_ref):
    x = x_ref[...]
    deg = d0_ref[:, :1] + d1_ref[:, :1] + 1.0
    dis = lax.rsqrt(deg)
    xw = jnp.dot(x, w_ref[...], preferred_element_type=jnp.float32)
    y_ref[...] = xw * dis
    dis_ref[...] = jnp.broadcast_to(dis, dis_ref.shape)
    xn = jnp.sqrt(jnp.sum(x * x, axis=-1, keepdims=True))
    xn_ref[...] = jnp.broadcast_to(xn, xn_ref.shape)


def _final_body(xn_ref, y_ref, s0_ref, s1_ref, dis_ref, b_ref, scale_ref,
                o_ref):
    s = s0_ref[0] + s1_ref[0] + y_ref[...]
    conv = dis_ref[:, :1] * s + b_ref[...]
    mn = jnp.sqrt(jnp.sum(conv * conv, axis=-1, keepdims=True))
    msgn = conv / jnp.maximum(mn, 1e-12)
    normed = msgn * xn_ref[:, :1] * scale_ref[0, 0]
    o_ref[...] = 0.5 * normed * (1.0 + lax.erf(normed * 0.7071067811865476))


_BLK = 1000
_GRID = N // _BLK


def kernel(X, edge_index, W, b, scale):
    src = edge_index[0]
    dst = edge_index[1]
    pad = ((0, 0), (0, EPT - E // NW))
    src_t = jnp.pad(src.reshape(NW, E // NW), pad, constant_values=PADIDX)
    dst_t = jnp.pad(dst.reshape(NW, E // NW), pad, constant_values=PADIDX)
    dst_flat = dst_t
    src_t = src_t.reshape(NW, CT, K)
    dst_t = dst_t.reshape(NW, CT, K)

    zerosD = jnp.zeros((RPT, D), jnp.float32)

    degp = _deg_kernel(dst_flat)

    d0 = degp[0].reshape(EPT)[:N, None]
    d1 = degp[1].reshape(EPT)[:N, None]
    y, dis, xn = pl.pallas_call(
        _linear_body,
        grid=(_GRID,),
        in_specs=[
            pl.BlockSpec((_BLK, D), lambda i: (i, 0)),
            pl.BlockSpec((D, D), lambda i: (0, 0)),
            pl.BlockSpec((_BLK, 1), lambda i: (i, 0)),
            pl.BlockSpec((_BLK, 1), lambda i: (i, 0)),
        ],
        out_specs=[
            pl.BlockSpec((_BLK, D), lambda i: (i, 0)),
            pl.BlockSpec((_BLK, 16), lambda i: (i, 0)),
            pl.BlockSpec((_BLK, 16), lambda i: (i, 0)),
        ],
        out_shape=[
            jax.ShapeDtypeStruct((NPAD, D), jnp.float32),
            jax.ShapeDtypeStruct((N, 16), jnp.float32),
            jax.ShapeDtypeStruct((N, 16), jnp.float32),
        ],
    )(X, W, d0, d1)

    sp = _scatter_kernel(y, src_t, dst_t, zerosD)

    out = pl.pallas_call(
        _final_body,
        grid=(_GRID,),
        in_specs=[
            pl.BlockSpec((_BLK, 16), lambda i: (i, 0)),
            pl.BlockSpec((_BLK, D), lambda i: (i, 0)),
            pl.BlockSpec((1, _BLK, D), lambda i: (0, i, 0)),
            pl.BlockSpec((1, _BLK, D), lambda i: (1, i, 0)),
            pl.BlockSpec((_BLK, 16), lambda i: (i, 0)),
            pl.BlockSpec((1, D), lambda i: (0, 0)),
            pl.BlockSpec(memory_space=pltpu.SMEM),
        ],
        out_specs=pl.BlockSpec((_BLK, D), lambda i: (i, 0)),
        out_shape=jax.ShapeDtypeStruct((N, D), jnp.float32),
    )(xn, y, sp, sp, dis, b.reshape(1, D), scale.reshape(1, 1))
    return out

# --- scband reference (transcript-rebuilt; emitter-appended) ---
"""Pipeline reference for scband-gcnchain-23167053595560 (READ-ONLY COPY).

The authoritative reference and input builder live on the scoring server;
editing this copy changes nothing except your own understanding.
"""

import jax, jax.numpy as jnp
import numpy as np

N = 10000
E = 320000
D_IN = 128
D_OUT = 128


def setup_inputs(seed: int = 0) -> dict:
    key = jax.random.key(seed)
    k1, k2, k3 = jax.random.split(key, 3)
    X = jax.random.normal(k1, (N, D_IN), dtype=jnp.float32)
    edge_index = jax.random.randint(k2, (2, E), 0, N, dtype=jnp.int32)
    # GCNConv linear weight (PyG Linear: out = x @ W, glorot init), no bias in lin; conv bias separate
    W = jax.random.normal(k3, (D_IN, D_OUT), dtype=jnp.float32) * (1.0 / np.sqrt(D_IN))
    b = jnp.zeros((D_OUT,), dtype=jnp.float32)
    # MessageNorm learnable scale, initialized to 1.0
    scale = jnp.array(1.0, dtype=jnp.float32)
    return {"X": X, "edge_index": edge_index, "W": W, "b": b, "scale": scale}


def reference(X, edge_index, W, b, scale):
    # --- GCNConv (add_self_loops=True, normalize=True, flow source_to_target) ---
    src, dst = edge_index[0], edge_index[1]
    loop = jnp.arange(N, dtype=edge_index.dtype)
    src_f = jnp.concatenate([src, loop])
    dst_f = jnp.concatenate([dst, loop])
    ew = jnp.ones(src_f.shape[0], dtype=X.dtype)
    deg = jnp.zeros((N,), dtype=X.dtype).at[dst_f].add(ew)
    deg_inv_sqrt = jnp.where(deg > 0, deg ** -0.5, 0.0)
    norm = deg_inv_sqrt[src_f] * deg_inv_sqrt[dst_f]
    Xw = X @ W
    msgs = Xw[src_f] * norm[:, None]
    conv_out = jnp.zeros((N, D_OUT), dtype=X.dtype).at[dst_f].add(msgs) + b
    # --- MessageNorm(learn_scale=True), p=2 ---
    msg_norm = jnp.sqrt(jnp.sum(conv_out * conv_out, axis=-1, keepdims=True))
    msg_normalized = conv_out / jnp.maximum(msg_norm, 1e-12)
    x_norm = jnp.sqrt(jnp.sum(X * X, axis=-1, keepdims=True))
    normed = msg_normalized * x_norm * scale
    # --- GELU (exact, torch default approximate='none') ---
    return jax.nn.gelu(normed, approximate=False)

if __name__ == "__main__":
    import jax
    _d = setup_inputs()
    print(jax.jit(kernel)(*tuple(_d.values())))

</pallas_src>

<mosaic_0001>
#map = affine_map<(d0, d1) -> (0, 0)>
#map1 = affine_map<(d0, d1) -> (0, 0, 0)>
module attributes {stable_mosaic.version = 14 : i64} {
  func.func @_scatter_kernel(%arg0: i32, %arg1: i32, %arg2: memref<10112x128xf32, #tpu.memory_space<hbm>>, %arg3: memref<32x128x80xi32, #tpu.memory_space<hbm>>, %arg4: memref<32x128x80xi32, #tpu.memory_space<hbm>>, %arg5: memref<632x128xf32, #tpu.memory_space<hbm>>, %arg6: memref<2x10112x128xf32, #tpu.memory_space<hbm>>, %arg7: memref<16x80xi32, #tpu.memory_space<vmem>>, %arg8: memref<16x80xi32, #tpu.memory_space<vmem>>, %arg9: memref<80x128xf32, #tpu.memory_space<vmem>>, %arg10: memref<80x128xf32, #tpu.memory_space<vmem>>, %arg11: memref<80x128xf32, #tpu.memory_space<vmem>>, %arg12: memref<80x128xf32, #tpu.memory_space<vmem>>, %arg13: memref<10112x128xf32, #tpu.memory_space<vmem_shared>>, %arg14: memref<!tpu.dma_semaphore, #tpu.memory_space<semaphore_mem>>, %arg15: memref<!tpu.dma_semaphore, #tpu.memory_space<semaphore_mem>>, %arg16: memref<!tpu.dma_semaphore, #tpu.memory_space<semaphore_mem>>, %arg17: memref<!tpu.dma_semaphore, #tpu.memory_space<semaphore_mem>>, %arg18: memref<!tpu.dma_semaphore, #tpu.memory_space<semaphore_mem>>, %arg19: memref<!tpu.dma_semaphore, #tpu.memory_space<semaphore_mem>>, %arg20: memref<!tpu.dma_semaphore, #tpu.memory_space<semaphore_mem>>, %arg21: memref<!tpu.dma_semaphore, #tpu.memory_space<semaphore_mem>>) attributes {dimension_semantics = [#tpu.dimension_semantics<core_parallel>, #tpu.dimension_semantics<subcore_parallel>], iteration_bounds = array<i64: 2, 16>, scalar_prefetch = 0 : i64, scratch_operands = 15 : i64, tpu.core_type = #tpu.core_type<sc_vector_subcore>, window_params = [{transform_indices = #map}, {transform_indices = #map1}, {transform_indices = #map1}, {transform_indices = #map}, {transform_indices = #map1}]} {
    %mul3A = arith.constant 16 : i32
    %mul3A_0 = arith.muli %arg0, %mul3A : i32
    %add3A = arith.addi %mul3A_0, %arg1 : i32
    %mul3A_1 = arith.constant 632 : i32
    %mul3A_2 = arith.muli %arg1, %mul3A_1 : i32
    "tpu.region"() ({
      %run_scoped3A = tpu.sem_alloc : memref<!tpu.dma_semaphore, #tpu.memory_space<semaphore_mem>>
      %dma_start3A = arith.constant 0 : i32
      %dma_start3A_13 = tpu.memref_slice %arg13[%mul3A_2, %dma_start3A] : memref<10112x128xf32, #tpu.memory_space<vmem_shared>> -> memref<632x128xf32, #tpu.memory_space<vmem_shared>>
      tpu.enqueue_dma source(%arg5 : memref<632x128xf32, #tpu.memory_space<hbm>>) target(%dma_start3A_13 : memref<632x128xf32, #tpu.memory_space<vmem_shared>>) target_semaphore(%run_scoped3A : memref<!tpu.dma_semaphore, #tpu.memory_space<semaphore_mem>>)
      %dma_wait3A = arith.constant 0 : i32
      %dma_wait3A_14 = tpu.memref_slice %arg13[%mul3A_2, %dma_wait3A] : memref<10112x128xf32, #tpu.memory_space<vmem_shared>> -> memref<632x128xf32, #tpu.memory_space<vmem_shared>>
      tpu.wait_dma2 semaphore(%run_scoped3A : memref<!tpu.dma_semaphore, #tpu.memory_space<semaphore_mem>>) src(%arg5 : memref<632x128xf32, #tpu.memory_space<hbm>>) dst(%dma_wait3A_14 : memref<632x128xf32, #tpu.memory_space<vmem_shared>>)
      tpu.yield
    }) : () -> ()
    %barrier3A = arith.constant 0 : index
    tpu.barrier barrier_id(%barrier3A)
    %scan3A = arith.constant 0 : i32
    %scan3A_3 = arith.constant 0 : i32
    %scan3A_4 = arith.constant 8 : i32
    %scan3A_5 = arith.addi %scan3A_3, %scan3A_4 : i32
    %scan3A_6 = arith.constant 1 : i32
    scf.for %scan3A_13 = %scan3A_3 to %scan3A_5 step %scan3A_6  : i32 {
      %mul3A_14 = arith.constant 16 : i32
      %mul3A_15 = arith.muli %scan3A_13, %mul3A_14 : i32
      "tpu.region"() ({
        %run_scoped3A = tpu.sem_alloc : memref<!tpu.dma_semaphore, #tpu.memory_space<semaphore_mem>>
        %dma_start3A_51 = arith.constant 0 : i32
        %dma_start3A_52 = tpu.memref_slice %arg3[%add3A, %mul3A_15, %dma_start3A_51] : memref<32x128x80xi32, #tpu.memory_space<hbm>> -> memref<1x16x80xi32, #tpu.memory_space<hbm>>
        %dma_start3A_53 = tpu.memref_squeeze %dma_start3A_52 : memref<1x16x80xi32, #tpu.memory_space<hbm>> -> memref<16x80xi32, #tpu.memory_space<hbm>>
        %dma_start3A_54 = arith.constant 0 : i32
        %dma_start3A_55 = tpu.memref_slice %arg3[%add3A, %mul3A_15, %dma_start3A_54] : memref<32x128x80xi32, #tpu.memory_space<hbm>> -> memref<1x16x80xi32, #tpu.memory_space<hbm>>
        %dma_start3A_56 = tpu.memref_squeeze %dma_start3A_55 : memref<1x16x80xi32, #tpu.memory_space<hbm>> -> memref<16x80xi32, #tpu.memory_space<hbm>>
        tpu.enqueue_dma source(%dma_start3A_56 : memref<16x80xi32, #tpu.memory_space<hbm>>) target(%arg7 : memref<16x80xi32, #tpu.memory_space<vmem>>) target_semaphore(%run_scoped3A : memref<!tpu.dma_semaphore, #tpu.memory_space<semaphore_mem>>)
        %dma_wait3A = arith.constant 0 : i32
        %dma_wait3A_57 = tpu.memref_slice %arg3[%add3A, %mul3A_15, %dma_wait3A] : memref<32x128x80xi32, #tpu.memory_space<hbm>> -> memref<1x16x80xi32, #tpu.memory_space<hbm>>
        %dma_wait3A_58 = tpu.memref_squeeze %dma_wait3A_57 : memref<1x16x80xi32, #tpu.memory_space<hbm>> -> memref<16x80xi32, #tpu.memory_space<hbm>>
        %dma_wait3A_59 = arith.constant 0 : i32
        %dma_wait3A_60 = tpu.memref_slice %arg3[%add3A, %mul3A_15, %dma_wait3A_59] : memref<32x128x80xi32, #tpu.memory_space<hbm>> -> memref<1x16x80xi32, #tpu.memory_space<hbm>>
        %dma_wait3A_61 = tpu.memref_squeeze %dma_wait3A_60 : memref<1x16x80xi32, #tpu.memory_space<hbm>> -> memref<16x80xi32, #tpu.memory_space<hbm>>
        tpu.wait_dma2 semaphore(%run_scoped3A : memref<!tpu.dma_semaphore, #tpu.memory_space<semaphore_mem>>) src(%dma_wait3A_61 : memref<16x80xi32, #tpu.memory_space<hbm>>) dst(%arg7 : memref<16x80xi32, #tpu.memory_space<vmem>>)
        tpu.yield
      }) : () -> ()
      %mul3A_16 = arith.constant 16 : i32
      %mul3A_17 = arith.muli %scan3A_13, %mul3A_16 : i32
      "tpu.region"() ({
        %run_scoped3A = tpu.sem_alloc : memref<!tpu.dma_semaphore, #tpu.memory_space<semaphore_mem>>
        %dma_start3A_51 = arith.constant 0 : i32
        %dma_start3A_52 = tpu.memref_slice %arg4[%add3A, %mul3A_17, %dma_start3A_51] : memref<32x128x80xi32, #tpu.memory_space<hbm>> -> memref<1x16x80xi32, #tpu.memory_space<hbm>>
        %dma_start3A_53 = tpu.memref_squeeze %dma_start3A_52 : memref<1x16x80xi32, #tpu.memory_space<hbm>> -> memref<16x80xi32, #tpu.memory_space<hbm>>
        %dma_start3A_54 = arith.constant 0 : i32
        %dma_start3A_55 = tpu.memref_slice %arg4[%add3A, %mul3A_17, %dma_start3A_54] : memref<32x128x80xi32, #tpu.memory_space<hbm>> -> memref<1x16x80xi32, #tpu.memory_space<hbm>>
        %dma_start3A_56 = tpu.memref_squeeze %dma_start3A_55 : memref<1x16x80xi32, #tpu.memory_space<hbm>> -> memref<16x80xi32, #tpu.memory_space<hbm>>
        tpu.enqueue_dma source(%dma_start3A_56 : memref<16x80xi32, #tpu.memory_space<hbm>>) target(%arg8 : memref<16x80xi32, #tpu.memory_space<vmem>>) target_semaphore(%run_scoped3A : memref<!tpu.dma_semaphore, #tpu.memory_space<semaphore_mem>>)
        %dma_wait3A = arith.constant 0 : i32
        %dma_wait3A_57 = tpu.memref_slice %arg4[%add3A, %mul3A_17, %dma_wait3A] : memref<32x128x80xi32, #tpu.memory_space<hbm>> -> memref<1x16x80xi32, #tpu.memory_space<hbm>>
        %dma_wait3A_58 = tpu.memref_squeeze %dma_wait3A_57 : memref<1x16x80xi32, #tpu.memory_space<hbm>> -> memref<16x80xi32, #tpu.memory_space<hbm>>
        %dma_wait3A_59 = arith.constant 0 : i32
        %dma_wait3A_60 = tpu.memref_slice %arg4[%add3A, %mul3A_17, %dma_wait3A_59] : memref<32x128x80xi32, #tpu.memory_space<hbm>> -> memref<1x16x80xi32, #tpu.memory_space<hbm>>
        %dma_wait3A_61 = tpu.memref_squeeze %dma_wait3A_60 : memref<1x16x80xi32, #tpu.memory_space<hbm>> -> memref<16x80xi32, #tpu.memory_space<hbm>>
        tpu.wait_dma2 semaphore(%run_scoped3A : memref<!tpu.dma_semaphore, #tpu.memory_space<semaphore_mem>>) src(%dma_wait3A_61 : memref<16x80xi32, #tpu.memory_space<hbm>>) dst(%arg8 : memref<16x80xi32, #tpu.memory_space<vmem>>)
        tpu.yield
      }) : () -> ()
      %dma_start3A = arith.constant 0 : i32
      %dma_start3A_18 = arith.constant 0 : i32
      %dma_start3A_19 = tpu.memref_slice %arg7[%dma_start3A, %dma_start3A_18] : memref<16x80xi32, #tpu.memory_space<vmem>> -> memref<1x80xi32, #tpu.memory_space<vmem>>
      %dma_start3A_20 = tpu.memref_squeeze %dma_start3A_19 : memref<1x80xi32, #tpu.memory_space<vmem>> -> memref<80xi32, #tpu.memory_space<vmem>>
      %dma_start3A_21 = arith.constant 0 : i32
      %dma_start3A_22 = arith.constant 0 : i32
      %dma_start3A_23 = tpu.memref_slice %arg2[%dma_start3A_21, %dma_start3A_22] : memref<10112x128xf32, #tpu.memory_space<hbm>> -> memref<10112x128xf32, #tpu.memory_space<hbm>>
      tpu.enqueue_indirect_dma source(%dma_start3A_23 : memref<10112x128xf32, #tpu.memory_space<hbm>>) target(%arg9 : memref<80x128xf32, #tpu.memory_space<vmem>>) offsets(%dma_start3A_20 : memref<80xi32, #tpu.memory_space<vmem>>) semaphore(%arg14 : memref<!tpu.dma_semaphore, #tpu.memory_space<semaphore_mem>>)
      %dma_start3A_24 = arith.constant 1 : i32
      %dma_start3A_25 = arith.constant 0 : i32
      %dma_start3A_26 = tpu.memref_slice %arg7[%dma_start3A_24, %dma_start3A_25] : memref<16x80xi32, #tpu.memory_space<vmem>> -> memref<1x80xi32, #tpu.memory_space<vmem>>
      %dma_start3A_27 = tpu.memref_squeeze %dma_start3A_26 : memref<1x80xi32, #tpu.memory_space<vmem>> -> memref<80xi32, #tpu.memory_space<vmem>>
      %dma_start3A_28 = arith.constant 0 : i32
      %dma_start3A_29 = arith.constant 0 : i32
      %dma_start3A_30 = tpu.memref_slice %arg2[%dma_start3A_28, %dma_start3A_29] : memref<10112x128xf32, #tpu.memory_space<hbm>> -> memref<10112x128xf32, #tpu.memory_space<hbm>>
      tpu.enqueue_indirect_dma source(%dma_start3A_30 : memref<10112x128xf32, #tpu.memory_space<hbm>>) target(%arg10 : memref<80x128xf32, #tpu.memory_space<vmem>>) offsets(%dma_start3A_27 : memref<80xi32, #tpu.memory_space<vmem>>) semaphore(%arg15 : memref<!tpu.dma_semaphore, #tpu.memory_space<semaphore_mem>>)
      %dma_start3A_31 = arith.constant 2 : i32
      %dma_start3A_32 = arith.constant 0 : i32
      %dma_start3A_33 = tpu.memref_slice %arg7[%dma_start3A_31, %dma_start3A_32] : memref<16x80xi32, #tpu.memory_space<vmem>> -> memref<1x80xi32, #tpu.memory_space<vmem>>
      %dma_start3A_34 = tpu.memref_squeeze %dma_start3A_33 : memref<1x80xi32, #tpu.memory_space<vmem>> -> memref<80xi32, #tpu.memory_space<vmem>>
      %dma_start3A_35 = arith.constant 0 : i32
      %dma_start3A_36 = arith.constant 0 : i32
      %dma_start3A_37 = tpu.memref_slice %arg2[%dma_start3A_35, %dma_start3A_36] : memref<10112x128xf32, #tpu.memory_space<hbm>> -> memref<10112x128xf32, #tpu.memory_space<hbm>>
      tpu.enqueue_indirect_dma source(%dma_start3A_37 : memref<10112x128xf32, #tpu.memory_space<hbm>>) target(%arg11 : memref<80x128xf32, #tpu.memory_space<vmem>>) offsets(%dma_start3A_34 : memref<80xi32, #tpu.memory_space<vmem>>) semaphore(%arg16 : memref<!tpu.dma_semaphore, #tpu.memory_space<semaphore_mem>>)
      %dma_start3A_38 = arith.constant 3 : i32
      %dma_start3A_39 = arith.constant 0 : i32
      %dma_start3A_40 = tpu.memref_slice %arg7[%dma_start3A_38, %dma_start3A_39] : memref<16x80xi32, #tpu.memory_space<vmem>> -> memref<1x80xi32, #tpu.memory_space<vmem>>
      %dma_start3A_41 = tpu.memref_squeeze %dma_start3A_40 : memref<1x80xi32, #tpu.memory_space<vmem>> -> memref<80xi32, #tpu.memory_space<vmem>>
      %dma_start3A_42 = arith.constant 0 : i32
      %dma_start3A_43 = arith.constant 0 : i32
      %dma_start3A_44 = tpu.memref_slice %arg2[%dma_start3A_42, %dma_start3A_43] : memref<10112x128xf32, #tpu.memory_space<hbm>> -> memref<10112x128xf32, #tpu.memory_space<hbm>>
      tpu.enqueue_indirect_dma source(%dma_start3A_44 : memref<10112x128xf32, #tpu.memory_space<hbm>>) target(%arg12 : memref<80x128xf32, #tpu.memory_space<vmem>>) offsets(%dma_start3A_41 : memref<80xi32, #tpu.memory_space<vmem>>) semaphore(%arg17 : memref<!tpu.dma_semaphore, #tpu.memory_space<semaphore_mem>>)
      %scan3A_45 = arith.constant 0 : i32
      %scan3A_46 = arith.constant 0 : i32
      %scan3A_47 = arith.constant 4 : i32
      %scan3A_48 = arith.addi %scan3A_46, %scan3A_47 : i32
      %scan3A_49 = arith.constant 1 : i32
      scf.for %scan3A_51 = %scan3A_46 to %scan3A_48 step %scan3A_49  : i32 {
        %mul3A_52 = arith.constant 4 : i32
        %mul3A_53 = arith.muli %mul3A_52, %scan3A_51 : i32
        %add3A_54 = arith.constant 0 : i32
        %add3A_55 = arith.addi %mul3A_53, %add3A_54 : i32
        %dma_wait3A = arith.constant 0 : i32
        %dma_wait3A_56 = tpu.memref_slice %arg7[%add3A_55, %dma_wait3A] : memref<16x80xi32, #tpu.memory_space<vmem>> -> memref<1x80xi32, #tpu.memory_space<vmem>>
        %dma_wait3A_57 = tpu.memref_squeeze %dma_wait3A_56 : memref<1x80xi32, #tpu.memory_space<vmem>> -> memref<80xi32, #tpu.memory_space<vmem>>
        %dma_wait3A_58 = arith.constant 0 : i32
        %dma_wait3A_59 = arith.constant 0 : i32
        %dma_wait3A_60 = tpu.memref_slice %arg2[%dma_wait3A_58, %dma_wait3A_59] : memref<10112x128xf32, #tpu.memory_space<hbm>> -> memref<10112x128xf32, #tpu.memory_space<hbm>>
        tpu.wait_indirect_dma semaphore(%arg14 : memref<!tpu.dma_semaphore, #tpu.memory_space<semaphore_mem>>) src(%dma_wait3A_60 : memref<10112x128xf32, #tpu.memory_space<hbm>>) dst(%arg9 : memref<80x128xf32, #tpu.memory_space<vmem>>)
        %dma_start3A_61 = arith.constant 0 : i32
        %dma_start3A_62 = tpu.memref_slice %arg8[%add3A_55, %dma_start3A_61] : memref<16x80xi32, #tpu.memory_space<vmem>> -> memref<1x80xi32, #tpu.memory_space<vmem>>
        %dma_start3A_63 = tpu.memref_squeeze %dma_start3A_62 : memref<1x80xi32, #tpu.memory_space<vmem>> -> memref<80xi32, #tpu.memory_space<vmem>>
        %dma_start3A_64 = arith.constant 0 : i32
        %dma_start3A_65 = arith.constant 0 : i32
        %dma_start3A_66 = tpu.memref_slice %arg13[%dma_start3A_64, %dma_start3A_65] : memref<10112x128xf32, #tpu.memory_space<vmem_shared>> -> memref<10112x128xf32, #tpu.memory_space<vmem_shared>>
        tpu.enqueue_indirect_dma source(%arg9 : memref<80x128xf32, #tpu.memory_space<vmem>>) target(%dma_start3A_66 : memref<10112x128xf32, #tpu.memory_space<vmem_shared>>) offsets(%dma_start3A_63 : memref<80xi32, #tpu.memory_space<vmem>>) semaphore(%arg18 : memref<!tpu.dma_semaphore, #tpu.memory_space<semaphore_mem>>) {add = true}
        %dma_wait3A_67 = arith.constant 0 : i32
        %dma_wait3A_68 = tpu.memref_slice %arg8[%add3A_55, %dma_wait3A_67] : memref<16x80xi32, #tpu.memory_space<vmem>> -> memref<1x80xi32, #tpu.memory_space<vmem>>
        %dma_wait3A_69 = tpu.memref_squeeze %dma_wait3A_68 : memref<1x80xi32, #tpu.memory_space<vmem>> -> memref<80xi32, #tpu.memory_space<vmem>>
        %dma_wait3A_70 = arith.constant 0 : i32
        %dma_wait3A_71 = arith.constant 0 : i32
        %dma_wait3A_72 = tpu.memref_slice %arg13[%dma_wait3A_70, %dma_wait3A_71] : memref<10112x128xf32, #tpu.memory_space<vmem_shared>> -> memref<10112x128xf32, #tpu.memory_space<vmem_shared>>
        tpu.wait_indirect_dma semaphore(%arg18 : memref<!tpu.dma_semaphore, #tpu.memory_space<semaphore_mem>>) src(%arg9 : memref<80x128xf32, #tpu.memory_space<vmem>>) dst(%dma_wait3A_72 : memref<10112x128xf32, #tpu.memory_space<vmem_shared>>)
        %add3A_73 = arith.constant 4 : i32
        %add3A_74 = arith.addi %add3A_55, %add3A_73 : i32
        %lt3A = arith.constant 16 : i32
        %lt3A_75 = arith.cmpi slt, %add3A_74, %lt3A : i32
        %convert_element_type3A = arith.extui %lt3A_75 : i1 to i32
        %cond3A = arith.constant 0 : i32
        %cond3A_76 = arith.cmpi ne, %convert_element_type3A, %cond3A : i32
        scf.if %cond3A_76 {
          %add3A_164 = arith.constant 4 : i32
          %add3A_165 = arith.addi %add3A_55, %add3A_164 : i32
          %dma_start3A_166 = arith.constant 0 : i32
          %dma_start3A_167 = tpu.memref_slice %arg7[%add3A_165, %dma_start3A_166] : memref<16x80xi32, #tpu.memory_space<vmem>> -> memref<1x80xi32, #tpu.memory_space<vmem>>
          %dma_start3A_168 = tpu.memref_squeeze %dma_start3A_167 : memref<1x80xi32, #tpu.memory_space<vmem>> -> memref<80xi32, #tpu.memory_space<vmem>>
          %dma_start3A_169 = arith.constant 0 : i32
          %dma_start3A_170 = arith.constant 0 : i32
          %dma_start3A_171 = tpu.memref_slice %arg2[%dma_start3A_169, %dma_start3A_170] : memref<10112x128xf32, #tpu.memory_space<hbm>> -> memref<10112x128xf32, #tpu.memory_space<hbm>>
          tpu.enqueue_indirect_dma source(%dma_start3A_171 : memref<10112x128xf32, #tpu.memory_space<hbm>>) target(%arg9 : memref<80x128xf32, #tpu.memory_space<vmem>>) offsets(%dma_start3A_168 : memref<80xi32, #tpu.memory_space<vmem>>) semaphore(%arg14 : memref<!tpu.dma_semaphore, #tpu.memory_space<semaphore_mem>>)
        } else {
        }
        %mul3A_77 = arith.constant 4 : i32
        %mul3A_78 = arith.muli %mul3A_77, %scan3A_51 : i32
        %add3A_79 = arith.constant 1 : i32
        %add3A_80 = arith.addi %mul3A_78, %add3A_79 : i32
        %dma_wait3A_81 = arith.constant 0 : i32
        %dma_wait3A_82 = tpu.memref_slice %arg7[%add3A_80, %dma_wait3A_81] : memref<16x80xi32, #tpu.memory_space<vmem>> -> memref<1x80xi32, #tpu.memory_space<vmem>>
        %dma_wait3A_83 = tpu.memref_squeeze %dma_wait3A_82 : memref<1x80xi32, #tpu.memory_space<vmem>> -> memref<80xi32, #tpu.memory_space<vmem>>
        %dma_wait3A_84 = arith.constant 0 : i32
        %dma_wait3A_85 = arith.constant 0 : i32
        %dma_wait3A_86 = tpu.memref_slice %arg2[%dma_wait3A_84, %dma_wait3A_85] : memref<10112x128xf32, #tpu.memory_space<hbm>> -> memref<10112x128xf32, #tpu.memory_space<hbm>>
        tpu.wait_indirect_dma semaphore(%arg15 : memref<!tpu.dma_semaphore, #tpu.memory_space<semaphore_mem>>) src(%dma_wait3A_86 : memref<10112x128xf32, #tpu.memory_space<hbm>>) dst(%arg10 : memref<80x128xf32, #tpu.memory_space<vmem>>)
        %dma_start3A_87 = arith.constant 0 : i32
        %dma_start3A_88 = tpu.memref_slice %arg8[%add3A_80, %dma_start3A_87] : memref<16x80xi32, #tpu.memory_space<vmem>> -> memref<1x80xi32, #tpu.memory_space<vmem>>
        %dma_start3A_89 = tpu.memref_squeeze %dma_start3A_88 : memref<1x80xi32, #tpu.memory_space<vmem>> -> memref<80xi32, #tpu.memory_space<vmem>>
        %dma_start3A_90 = arith.constant 0 : i32
        %dma_start3A_91 = arith.constant 0 : i32
        %dma_start3A_92 = tpu.memref_slice %arg13[%dma_start3A_90, %dma_start3A_91] : memref<10112x128xf32, #tpu.memory_space<vmem_shared>> -> memref<10112x128xf32, #tpu.memory_space<vmem_shared>>
        tpu.enqueue_indirect_dma source(%arg10 : memref<80x128xf32, #tpu.memory_space<vmem>>) target(%dma_start3A_92 : memref<10112x128xf32, #tpu.memory_space<vmem_shared>>) offsets(%dma_start3A_89 : memref<80xi32, #tpu.memory_space<vmem>>) semaphore(%arg19 : memref<!tpu.dma_semaphore, #tpu.memory_space<semaphore_mem>>) {add = true}
        %dma_wait3A_93 = arith.constant 0 : i32
        %dma_wait3A_94 = tpu.memref_slice %arg8[%add3A_80, %dma_wait3A_93] : memref<16x80xi32, #tpu.memory_space<vmem>> -> memref<1x80xi32, #tpu.memory_space<vmem>>
        %dma_wait3A_95 = tpu.memref_squeeze %dma_wait3A_94 : memref<1x80xi32, #tpu.memory_space<vmem>> -> memref<80xi32, #tpu.memory_space<vmem>>
        %dma_wait3A_96 = arith.constant 0 : i32
        %dma_wait3A_97 = arith.constant 0 : i32
        %dma_wait3A_98 = tpu.memref_slice %arg13[%dma_wait3A_96, %dma_wait3A_97] : memref<10112x128xf32, #tpu.memory_space<vmem_shared>> -> memref<10112x128xf32, #tpu.memory_space<vmem_shared>>
        tpu.wait_indirect_dma semaphore(%arg19 : memref<!tpu.dma_semaphore, #tpu.memory_space<semaphore_mem>>) src(%arg10 : memref<80x128xf32, #tpu.memory_space<vmem>>) dst(%dma_wait3A_98 : memref<10112x128xf32, #tpu.memory_space<vmem_shared>>)
        %add3A_99 = arith.constant 4 : i32
        %add3A_100 = arith.addi %add3A_80, %add3A_99 : i32
        %lt3A_101 = arith.constant 16 : i32
        %lt3A_102 = arith.cmpi slt, %add3A_100, %lt3A_101 : i32
        %convert_element_type3A_103 = arith.extui %lt3A_102 : i1 to i32
        %cond3A_104 = arith.constant 0 : i32
        %cond3A_105 = arith.cmpi ne, %convert_element_type3A_103, %cond3A_104 : i32
        scf.if %cond3A_105 {
          %add3A_164 = arith.constant 4 : i32
          %add3A_165 = arith.addi %add3A_80, %add3A_164 : i32
          %dma_start3A_166 = arith.constant 0 : i32
          %dma_start3A_167 = tpu.memref_slice %arg7[%add3A_165, %dma_start3A_166] : memref<16x80xi32, #tpu.memory_space<vmem>> -> memref<1x80xi32, #tpu.memory_space<vmem>>
          %dma_start3A_168 = tpu.memref_squeeze %dma_start3A_167 : memref<1x80xi32, #tpu.memory_space<vmem>> -> memref<80xi32, #tpu.memory_space<vmem>>
          %dma_start3A_169 = arith.constant 0 : i32
          %dma_start3A_170 = arith.constant 0 : i32
          %dma_start3A_171 = tpu.memref_slice %arg2[%dma_start3A_169, %dma_start3A_170] : memref<10112x128xf32, #tpu.memory_space<hbm>> -> memref<10112x128xf32, #tpu.memory_space<hbm>>
          tpu.enqueue_indirect_dma source(%dma_start3A_171 : memref<10112x128xf32, #tpu.memory_space<hbm>>) target(%arg10 : memref<80x128xf32, #tpu.memory_space<vmem>>) offsets(%dma_start3A_168 : memref<80xi32, #tpu.memory_space<vmem>>) semaphore(%arg15 : memref<!tpu.dma_semaphore, #tpu.memory_space<semaphore_mem>>)
        } else {
        }
        %mul3A_106 = arith.constant 4 : i32
        %mul3A_107 = arith.muli %mul3A_106, %scan3A_51 : i32
        %add3A_108 = arith.constant 2 : i32
        %add3A_109 = arith.addi %mul3A_107, %add3A_108 : i32
        %dma_wait3A_110 = arith.constant 0 : i32
        %dma_wait3A_111 = tpu.memref_slice %arg7[%add3A_109, %dma_wait3A_110] : memref<16x80xi32, #tpu.memory_space<vmem>> -> memref<1x80xi32, #tpu.memory_space<vmem>>
        %dma_wait3A_112 = tpu.memref_squeeze %dma_wait3A_111 : memref<1x80xi32, #tpu.memory_space<vmem>> -> memref<80xi32, #tpu.memory_space<vmem>>
        %dma_wait3A_113 = arith.constant 0 : i32
        %dma_wait3A_114 = arith.constant 0 : i32
        %dma_wait3A_115 = tpu.memref_slice %arg2[%dma_wait3A_113, %dma_wait3A_114] : memref<10112x128xf32, #tpu.memory_space<hbm>> -> memref<10112x128xf32, #tpu.memory_space<hbm>>
        tpu.wait_indirect_dma semaphore(%arg16 : memref<!tpu.dma_semaphore, #tpu.memory_space<semaphore_mem>>) src(%dma_wait3A_115 : memref<10112x128xf32, #tpu.memory_space<hbm>>) dst(%arg11 : memref<80x128xf32, #tpu.memory_space<vmem>>)
        %dma_start3A_116 = arith.constant 0 : i32
        %dma_start3A_117 = tpu.memref_slice %arg8[%add3A_109, %dma_start3A_116] : memref<16x80xi32, #tpu.memory_space<vmem>> -> memref<1x80xi32, #tpu.memory_space<vmem>>
        %dma_start3A_118 = tpu.memref_squeeze %dma_start3A_117 : memref<1x80xi32, #tpu.memory_space<vmem>> -> memref<80xi32, #tpu.memory_space<vmem>>
        %dma_start3A_119 = arith.constant 0 : i32
        %dma_start3A_120 = arith.constant 0 : i32
        %dma_start3A_121 = tpu.memref_slice %arg13[%dma_start3A_119, %dma_start3A_120] : memref<10112x128xf32, #tpu.memory_space<vmem_shared>> -> memref<10112x128xf32, #tpu.memory_space<vmem_shared>>
        tpu.enqueue_indirect_dma source(%arg11 : memref<80x128xf32, #tpu.memory_space<vmem>>) target(%dma_start3A_121 : memref<10112x128xf32, #tpu.memory_space<vmem_shared>>) offsets(%dma_start3A_118 : memref<80xi32, #tpu.memory_space<vmem>>) semaphore(%arg20 : memref<!tpu.dma_semaphore, #tpu.memory_space<semaphore_mem>>) {add = true}
        %dma_wait3A_122 = arith.constant 0 : i32
        %dma_wait3A_123 = tpu.memref_slice %arg8[%add3A_109, %dma_wait3A_122] : memref<16x80xi32, #tpu.memory_space<vmem>> -> memref<1x80xi32, #tpu.memory_space<vmem>>
        %dma_wait3A_124 = tpu.memref_squeeze %dma_wait3A_123 : memref<1x80xi32, #tpu.memory_space<vmem>> -> memref<80xi32, #tpu.memory_space<vmem>>
        %dma_wait3A_125 = arith.constant 0 : i32
        %dma_wait3A_126 = arith.constant 0 : i32
        %dma_wait3A_127 = tpu.memref_slice %arg13[%dma_wait3A_125, %dma_wait3A_126] : memref<10112x128xf32, #tpu.memory_space<vmem_shared>> -> memref<10112x128xf32, #tpu.memory_space<vmem_shared>>
        tpu.wait_indirect_dma semaphore(%arg20 : memref<!tpu.dma_semaphore, #tpu.memory_space<semaphore_mem>>) src(%arg11 : memref<80x128xf32, #tpu.memory_space<vmem>>) dst(%dma_wait3A_127 : memref<10112x128xf32, #tpu.memory_space<vmem_shared>>)
        %add3A_128 = arith.constant 4 : i32
        %add3A_129 = arith.addi %add3A_109, %add3A_128 : i32
        %lt3A_130 = arith.constant 16 : i32
        %lt3A_131 = arith.cmpi slt, %add3A_129, %lt3A_130 : i32
        %convert_element_type3A_132 = arith.extui %lt3A_131 : i1 to i32
        %cond3A_133 = arith.constant 0 : i32
        %cond3A_134 = arith.cmpi ne, %convert_element_type3A_132, %cond3A_133 : i32
        scf.if %cond3A_134 {
          %add3A_164 = arith.constant 4 : i32
          %add3A_165 = arith.addi %add3A_109, %add3A_164 : i32
          %dma_start3A_166 = arith.constant 0 : i32
          %dma_start3A_167 = tpu.memref_slice %arg7[%add3A_165, %dma_start3A_166] : memref<16x80xi32, #tpu.memory_space<vmem>> -> memref<1x80xi32, #tpu.memory_space<vmem>>
          %dma_start3A_168 = tpu.memref_squeeze %dma_start3A_167 : memref<1x80xi32, #tpu.memory_space<vmem>> -> memref<80xi32, #tpu.memory_space<vmem>>
          %dma_start3A_169 = arith.constant 0 : i32
          %dma_start3A_170 = arith.constant 0 : i32
          %dma_start3A_171 = tpu.memref_slice %arg2[%dma_start3A_169, %dma_start3A_170] : memref<10112x128xf32, #tpu.memory_space<hbm>> -> memref<10112x128xf32, #tpu.memory_space<hbm>>
          tpu.enqueue_indirect_dma source(%dma_start3A_171 : memref<10112x128xf32, #tpu.memory_space<hbm>>) target(%arg11 : memref<80x128xf32, #tpu.memory_space<vmem>>) offsets(%dma_start3A_168 : memref<80xi32, #tpu.memory_space<vmem>>) semaphore(%arg16 : memref<!tpu.dma_semaphore, #tpu.memory_space<semaphore_mem>>)
        } else {
        }
        %mul3A_135 = arith.constant 4 : i32
        %mul3A_136 = arith.muli %mul3A_135, %scan3A_51 : i32
        %add3A_137 = arith.constant 3 : i32
        %add3A_138 = arith.addi %mul3A_136, %add3A_137 : i32
        %dma_wait3A_139 = arith.constant 0 : i32
        %dma_wait3A_140 = tpu.memref_slice %arg7[%add3A_138, %dma_wait3A_139] : memref<16x80xi32, #tpu.memory_space<vmem>> -> memref<1x80xi32, #tpu.memory_space<vmem>>
        %dma_wait3A_141 = tpu.memref_squeeze %dma_wait3A_140 : memref<1x80xi32, #tpu.memory_space<vmem>> -> memref<80xi32, #tpu.memory_space<vmem>>
        %dma_wait3A_142 = arith.constant 0 : i32
        %dma_wait3A_143 = arith.constant 0 : i32
        %dma_wait3A_144 = tpu.memref_slice %arg2[%dma_wait3A_142, %dma_wait3A_143] : memref<10112x128xf32, #tpu.memory_space<hbm>> -> memref<10112x128xf32, #tpu.memory_space<hbm>>
        tpu.wait_indirect_dma semaphore(%arg17 : memref<!tpu.dma_semaphore, #tpu.memory_space<semaphore_mem>>) src(%dma_wait3A_144 : memref<10112x128xf32, #tpu.memory_space<hbm>>) dst(%arg12 : memref<80x128xf32, #tpu.memory_space<vmem>>)
        %dma_start3A_145 = arith.constant 0 : i32
        %dma_start3A_146 = tpu.memref_slice %arg8[%add3A_138, %dma_start3A_145] : memref<16x80xi32, #tpu.memory_space<vmem>> -> memref<1x80xi32, #tpu.memory_space<vmem>>
        %dma_start3A_147 = tpu.memref_squeeze %dma_start3A_146 : memref<1x80xi32, #tpu.memory_space<vmem>> -> memref<80xi32, #tpu.memory_space<vmem>>
        %dma_start3A_148 = arith.constant 0 : i32
        %dma_start3A_149 = arith.constant 0 : i32
        %dma_start3A_150 = tpu.memref_slice %arg13[%dma_start3A_148, %dma_start3A_149] : memref<10112x128xf32, #tpu.memory_space<vmem_shared>> -> memref<10112x128xf32, #tpu.memory_space<vmem_shared>>
        tpu.enqueue_indirect_dma source(%arg12 : memref<80x128xf32, #tpu.memory_space<vmem>>) target(%dma_start3A_150 : memref<10112x128xf32, #tpu.memory_space<vmem_shared>>) offsets(%dma_start3A_147 : memref<80xi32, #tpu.memory_space<vmem>>) semaphore(%arg21 : memref<!tpu.dma_semaphore, #tpu.memory_space<semaphore_mem>>) {add = true}
        %dma_wait3A_151 = arith.constant 0 : i32
        %dma_wait3A_152 = tpu.memref_slice %arg8[%add3A_138, %dma_wait3A_151] : memref<16x80xi32, #tpu.memory_space<vmem>> -> memref<1x80xi32, #tpu.memory_space<vmem>>
        %dma_wait3A_153 = tpu.memref_squeeze %dma_wait3A_152 : memref<1x80xi32, #tpu.memory_space<vmem>> -> memref<80xi32, #tpu.memory_space<vmem>>
        %dma_wait3A_154 = arith.constant 0 : i32
        %dma_wait3A_155 = arith.constant 0 : i32
        %dma_wait3A_156 = tpu.memref_slice %arg13[%dma_wait3A_154, %dma_wait3A_155] : memref<10112x128xf32, #tpu.memory_space<vmem_shared>> -> memref<10112x128xf32, #tpu.memory_space<vmem_shared>>
        tpu.wait_indirect_dma semaphore(%arg21 : memref<!tpu.dma_semaphore, #tpu.memory_space<semaphore_mem>>) src(%arg12 : memref<80x128xf32, #tpu.memory_space<vmem>>) dst(%dma_wait3A_156 : memref<10112x128xf32, #tpu.memory_space<vmem_shared>>)
        %add3A_157 = arith.constant 4 : i32
        %add3A_158 = arith.addi %add3A_138, %add3A_157 : i32
        %lt3A_159 = arith.constant 16 : i32
        %lt3A_160 = arith.cmpi slt, %add3A_158, %lt3A_159 : i32
        %convert_element_type3A_161 = arith.extui %lt3A_160 : i1 to i32
        %cond3A_162 = arith.constant 0 : i32
        %cond3A_163 = arith.cmpi ne, %convert_element_type3A_161, %cond3A_162 : i32
        scf.if %cond3A_163 {
          %add3A_164 = arith.constant 4 : i32
          %add3A_165 = arith.addi %add3A_138, %add3A_164 : i32
          %dma_start3A_166 = arith.constant 0 : i32
          %dma_start3A_167 = tpu.memref_slice %arg7[%add3A_165, %dma_start3A_166] : memref<16x80xi32, #tpu.memory_space<vmem>> -> memref<1x80xi32, #tpu.memory_space<vmem>>
          %dma_start3A_168 = tpu.memref_squeeze %dma_start3A_167 : memref<1x80xi32, #tpu.memory_space<vmem>> -> memref<80xi32, #tpu.memory_space<vmem>>
          %dma_start3A_169 = arith.constant 0 : i32
          %dma_start3A_170 = arith.constant 0 : i32
          %dma_start3A_171 = tpu.memref_slice %arg2[%dma_start3A_169, %dma_start3A_170] : memref<10112x128xf32, #tpu.memory_space<hbm>> -> memref<10112x128xf32, #tpu.memory_space<hbm>>
          tpu.enqueue_indirect_dma source(%dma_start3A_171 : memref<10112x128xf32, #tpu.memory_space<hbm>>) target(%arg12 : memref<80x128xf32, #tpu.memory_space<vmem>>) offsets(%dma_start3A_168 : memref<80xi32, #tpu.memory_space<vmem>>) semaphore(%arg17 : memref<!tpu.dma_semaphore, #tpu.memory_space<semaphore_mem>>)
        } else {
        }
      }
      %scan3A_50 = arith.constant 4 : i32
    }
    %scan3A_7 = arith.constant 8 : i32
    %barrier3A_8 = arith.constant 0 : index
    tpu.barrier barrier_id(%barrier3A_8)
    %mul3A_9 = arith.constant 632 : i32
    %mul3A_10 = arith.muli %arg1, %mul3A_9 : i32
    %mul3A_11 = arith.constant 632 : i32
    %mul3A_12 = arith.muli %arg1, %mul3A_11 : i32
    "tpu.region"() ({
      %run_scoped3A = tpu.sem_alloc : memref<!tpu.dma_semaphore, #tpu.memory_space<semaphore_mem>>
      %dma_start3A = arith.constant 0 : i32
      %dma_start3A_13 = tpu.memref_slice %arg6[%arg0, %mul3A_12, %dma_start3A] : memref<2x10112x128xf32, #tpu.memory_space<hbm>> -> memref<1x632x128xf32, #tpu.memory_space<hbm>>
      %dma_start3A_14 = tpu.memref_squeeze %dma_start3A_13 : memref<1x632x128xf32, #tpu.memory_space<hbm>> -> memref<632x128xf32, #tpu.memory_space<hbm>>
      %dma_start3A_15 = arith.constant 0 : i32
      %dma_start3A_16 = tpu.memref_slice %arg13[%mul3A_10, %dma_start3A_15] : memref<10112x128xf32, #tpu.memory_space<vmem_shared>> -> memref<632x128xf32, #tpu.memory_space<vmem_shared>>
      tpu.enqueue_dma source(%dma_start3A_16 : memref<632x128xf32, #tpu.memory_space<vmem_shared>>) target(%dma_start3A_14 : memref<632x128xf32, #tpu.memory_space<hbm>>) target_semaphore(%run_scoped3A : memref<!tpu.dma_semaphore, #tpu.memory_space<semaphore_mem>>)
      %dma_wait3A = arith.constant 0 : i32
      %dma_wait3A_17 = tpu.memref_slice %arg6[%arg0, %mul3A_12, %dma_wait3A] : memref<2x10112x128xf32, #tpu.memory_space<hbm>> -> memref<1x632x128xf32, #tpu.memory_space<hbm>>
      %dma_wait3A_18 = tpu.memref_squeeze %dma_wait3A_17 : memref<1x632x128xf32, #tpu.memory_space<hbm>> -> memref<632x128xf32, #tpu.memory_space<hbm>>
      %dma_wait3A_19 = arith.constant 0 : i32
      %dma_wait3A_20 = tpu.memref_slice %arg13[%mul3A_10, %dma_wait3A_19] : memref<10112x128xf32, #tpu.memory_space<vmem_shared>> -> memref<632x128xf32, #tpu.memory_space<vmem_shared>>
      tpu.wait_dma2 semaphore(%run_scoped3A : memref<!tpu.dma_semaphore, #tpu.memory_space<semaphore_mem>>) src(%dma_wait3A_20 : memref<632x128xf32, #tpu.memory_space<vmem_shared>>) dst(%dma_wait3A_18 : memref<632x128xf32, #tpu.memory_space<hbm>>)
      tpu.yield
    }) : () -> ()
    return
  }
}

#map = affine_map<(d0, d1) -> (0, 0)>
#map1 = affine_map<(d0, d1) -> (0, 0, 0)>
module attributes {stable_mosaic.version = 14 : i64} {
  func.func @_deg_kernel(%arg0: i32, %arg1: i32, %arg2: memref<32x10240xi32, #tpu.memory_space<hbm>>, %arg3: memref<2x80x128xf32, #tpu.memory_space<hbm>>, %arg4: memref<10240xi32, #tpu.memory_space<vmem>>, %arg5: memref<80x128xf32, #tpu.memory_space<vmem>>, %arg6: memref<80xi32, #tpu.memory_space<vmem>>, %arg7: memref<80x128xf32, #tpu.memory_space<vmem_shared>>) attributes {dimension_semantics = [#tpu.dimension_semantics<core_parallel>, #tpu.dimension_semantics<subcore_parallel>], iteration_bounds = array<i64: 2, 16>, scalar_prefetch = 0 : i64, scratch_operands = 4 : i64, tpu.core_type = #tpu.core_type<sc_vector_subcore>, window_params = [{transform_indices = #map}, {transform_indices = #map1}]} {
    %mul3A = arith.constant 16 : i32
    %mul3A_0 = arith.muli %arg0, %mul3A : i32
    %add3A = arith.addi %mul3A_0, %arg1 : i32
    "tpu.region"() ({
      %run_scoped3A = tpu.sem_alloc : memref<!tpu.dma_semaphore, #tpu.memory_space<semaphore_mem>>
      %dma_start3A = arith.constant 0 : i32
      %dma_start3A_50 = tpu.memref_slice %arg2[%add3A, %dma_start3A] : memref<32x10240xi32, #tpu.memory_space<hbm>> -> memref<1x10240xi32, #tpu.memory_space<hbm>>
      %dma_start3A_51 = tpu.memref_squeeze %dma_start3A_50 : memref<1x10240xi32, #tpu.memory_space<hbm>> -> memref<10240xi32, #tpu.memory_space<hbm>>
      %dma_start3A_52 = arith.constant 0 : i32
      %dma_start3A_53 = tpu.memref_slice %arg2[%add3A, %dma_start3A_52] : memref<32x10240xi32, #tpu.memory_space<hbm>> -> memref<1x10240xi32, #tpu.memory_space<hbm>>
      %dma_start3A_54 = tpu.memref_squeeze %dma_start3A_53 : memref<1x10240xi32, #tpu.memory_space<hbm>> -> memref<10240xi32, #tpu.memory_space<hbm>>
      tpu.enqueue_dma source(%dma_start3A_54 : memref<10240xi32, #tpu.memory_space<hbm>>) target(%arg4 : memref<10240xi32, #tpu.memory_space<vmem>>) target_semaphore(%run_scoped3A : memref<!tpu.dma_semaphore, #tpu.memory_space<semaphore_mem>>)
      %dma_wait3A = arith.constant 0 : i32
      %dma_wait3A_55 = tpu.memref_slice %arg2[%add3A, %dma_wait3A] : memref<32x10240xi32, #tpu.memory_space<hbm>> -> memref<1x10240xi32, #tpu.memory_space<hbm>>
      %dma_wait3A_56 = tpu.memref_squeeze %dma_wait3A_55 : memref<1x10240xi32, #tpu.memory_space<hbm>> -> memref<10240xi32, #tpu.memory_space<hbm>>
      %dma_wait3A_57 = arith.constant 0 : i32
      %dma_wait3A_58 = tpu.memref_slice %arg2[%add3A, %dma_wait3A_57] : memref<32x10240xi32, #tpu.memory_space<hbm>> -> memref<1x10240xi32, #tpu.memory_space<hbm>>
      %dma_wait3A_59 = tpu.memref_squeeze %dma_wait3A_58 : memref<1x10240xi32, #tpu.memory_space<hbm>> -> memref<10240xi32, #tpu.memory_space<hbm>>
      tpu.wait_dma2 semaphore(%run_scoped3A : memref<!tpu.dma_semaphore, #tpu.memory_space<semaphore_mem>>) src(%dma_wait3A_59 : memref<10240xi32, #tpu.memory_space<hbm>>) dst(%arg4 : memref<10240xi32, #tpu.memory_space<vmem>>)
      tpu.yield
    }) : () -> ()
    %scan3A = arith.constant 0 : i32
    %scan3A_1 = arith.constant 0 : i32
    %scan3A_2 = arith.constant 640 : i32
    %scan3A_3 = arith.addi %scan3A_1, %scan3A_2 : i32
    %scan3A_4 = arith.constant 1 : i32
    scf.for %scan3A_50 = %scan3A_1 to %scan3A_3 step %scan3A_4  : i32 {
      %broadcast_in_dim3A_51 = arith.constant 0.000000e+00 : f32
      %broadcast_in_dim3A_52 = vector.broadcast %broadcast_in_dim3A_51 : f32 to vector<16xf32>
      %shift_right_arithmetic3A = arith.constant 3 : i32
      %shift_right_arithmetic3A_53 = arith.shrsi %scan3A_50, %shift_right_arithmetic3A : i32
      %and3A = arith.constant 7 : i32
      %and3A_54 = arith.andi %scan3A_50, %and3A : i32
      %mul3A_55 = arith.constant 16 : i32
      %mul3A_56 = arith.muli %and3A_54, %mul3A_55 : i32
      %swap3A_57 = arith.index_cast %shift_right_arithmetic3A_53 : i32 to index
      %swap3A_58 = arith.index_cast %mul3A_56 : i32 to index
      %swap3A_59 = tpu.vector_load %arg5[%swap3A_57, %swap3A_58] {strides = array<i32>} : memref<80x128xf32, #tpu.memory_space<vmem>>, vector<16xf32>,
      tpu.vector_store %arg5[%swap3A_57, %swap3A_58], %broadcast_in_dim3A_52 {strides = array<i32>} : memref<80x128xf32, #tpu.memory_space<vmem>>, vector<16xf32>,
    }
    %scan3A_5 = arith.constant 640 : i32
    %iota3A = tpu.iota {dimensions = array<i32: 0>} : vector<16xi32>
    %add3A_6 = arith.constant 0 : i32
    %add3A_7 = vector.broadcast %add3A_6 : i32 to vector<16xi32>
    %add3A_8 = arith.addi %iota3A, %add3A_7 : vector<16xi32>
    %swap3A = arith.constant 0 : index
    %swap3A_9 = tpu.vector_load %arg6[%swap3A] {strides = array<i32>} : memref<80xi32, #tpu.memory_space<vmem>>, vector<16xi32>,
    tpu.vector_store %arg6[%swap3A], %add3A_8 {strides = array<i32>} : memref<80xi32, #tpu.memory_space<vmem>>, vector<16xi32>,
    %iota3A_10 = tpu.iota {dimensions = array<i32: 0>} : vector<16xi32>
    %add3A_11 = arith.constant 16 : i32
    %add3A_12 = vector.broadcast %add3A_11 : i32 to vector<16xi32>
    %add3A_13 = arith.addi %iota3A_10, %add3A_12 : vector<16xi32>
    %swap3A_14 = arith.constant 16 : index
    %swap3A_15 = tpu.vector_load %arg6[%swap3A_14] {strides = array<i32>} : memref<80xi32, #tpu.memory_space<vmem>>, vector<16xi32>,
    tpu.vector_store %arg6[%swap3A_14], %add3A_13 {strides = array<i32>} : memref<80xi32, #tpu.memory_space<vmem>>, vector<16xi32>,
    %iota3A_16 = tpu.iota {dimensions = array<i32: 0>} : vector<16xi32>
    %add3A_17 = arith.constant 32 : i32
    %add3A_18 = vector.broadcast %add3A_17 : i32 to vector<16xi32>
    %add3A_19 = arith.addi %iota3A_16, %add3A_18 : vector<16xi32>
    %swap3A_20 = arith.constant 32 : index
    %swap3A_21 = tpu.vector_load %arg6[%swap3A_20] {strides = array<i32>} : memref<80xi32, #tpu.memory_space<vmem>>, vector<16xi32>,
    tpu.vector_store %arg6[%swap3A_20], %add3A_19 {strides = array<i32>} : memref<80xi32, #tpu.memory_space<vmem>>, vector<16xi32>,
    %iota3A_22 = tpu.iota {dimensions = array<i32: 0>} : vector<16xi32>
    %add3A_23 = arith.constant 48 : i32
    %add3A_24 = vector.broadcast %add3A_23 : i32 to vector<16xi32>
    %add3A_25 = arith.addi %iota3A_22, %add3A_24 : vector<16xi32>
    %swap3A_26 = arith.constant 48 : index
    %swap3A_27 = tpu.vector_load %arg6[%swap3A_26] {strides = array<i32>} : memref<80xi32, #tpu.memory_space<vmem>>, vector<16xi32>,
    tpu.vector_store %arg6[%swap3A_26], %add3A_25 {strides = array<i32>} : memref<80xi32, #tpu.memory_space<vmem>>, vector<16xi32>,
    %iota3A_28 = tpu.iota {dimensions = array<i32: 0>} : vector<16xi32>
    %add3A_29 = arith.constant 64 : i32
    %add3A_30 = vector.broadcast %add3A_29 : i32 to vector<16xi32>
    %add3A_31 = arith.addi %iota3A_28, %add3A_30 : vector<16xi32>
    %swap3A_32 = arith.constant 64 : index
    %swap3A_33 = tpu.vector_load %arg6[%swap3A_32] {strides = array<i32>} : memref<80xi32, #tpu.memory_space<vmem>>, vector<16xi32>,
    tpu.vector_store %arg6[%swap3A_32], %add3A_31 {strides = array<i32>} : memref<80xi32, #tpu.memory_space<vmem>>, vector<16xi32>,
    %eq3A = arith.constant 0 : i32
    %eq3A_34 = arith.cmpi eq, %arg1, %eq3A : i32
    %convert_element_type3A = arith.extui %eq3A_34 : i1 to i32
    %cond3A = arith.constant 0 : i32
    %cond3A_35 = arith.cmpi ne, %convert_element_type3A, %cond3A : i32
    scf.if %cond3A_35 {
      "tpu.region"() ({
        %run_scoped3A = tpu.sem_alloc : memref<!tpu.dma_semaphore, #tpu.memory_space<semaphore_mem>>
        tpu.enqueue_dma source(%arg5 : memref<80x128xf32, #tpu.memory_space<vmem>>) target(%arg7 : memref<80x128xf32, #tpu.memory_space<vmem_shared>>) target_semaphore(%run_scoped3A : memref<!tpu.dma_semaphore, #tpu.memory_space<semaphore_mem>>)
        tpu.wait_dma2 semaphore(%run_scoped3A : memref<!tpu.dma_semaphore, #tpu.memory_space<semaphore_mem>>) src(%arg5 : memref<80x128xf32, #tpu.memory_space<vmem>>) dst(%arg7 : memref<80x128xf32, #tpu.memory_space<vmem_shared>>)
        tpu.yield
      }) : () -> ()
    } else {
    }
    %barrier3A = arith.constant 0 : index
    tpu.barrier barrier_id(%barrier3A)
    %broadcast_in_dim3A = arith.constant 1.000000e+00 : f32
    %broadcast_in_dim3A_36 = vector.broadcast %broadcast_in_dim3A : f32 to vector<16xf32>
    %scan3A_37 = arith.constant 0 : i32
    %scan3A_38 = arith.constant 0 : i32
    %scan3A_39 = arith.constant 640 : i32
    %scan3A_40 = arith.addi %scan3A_38, %scan3A_39 : i32
    %scan3A_41 = arith.constant 1 : i32
    scf.for %scan3A_50 = %scan3A_38 to %scan3A_40 step %scan3A_41  : i32 {
      %mul3A_51 = arith.constant 16 : i32
      %mul3A_52 = arith.muli %scan3A_50, %mul3A_51 : i32
      %get3A = arith.index_cast %mul3A_52 : i32 to index
      %get3A_53 = tpu.vector_load %arg4[%get3A] {strides = array<i32>} : memref<10240xi32, #tpu.memory_space<vmem>>, vector<16xi32>,
      %shift_right_logical3A = arith.constant 7 : i32
      %shift_right_logical3A_54 = vector.broadcast %shift_right_logical3A : i32 to vector<16xi32>
      %shift_right_logical3A_55 = arith.shrui %get3A_53, %shift_right_logical3A_54 : vector<16xi32>
      %and3A = arith.constant 127 : i32
      %and3A_56 = vector.broadcast %and3A : i32 to vector<16xi32>
      %and3A_57 = arith.andi %get3A_53, %and3A_56 : vector<16xi32>
      tpu.vector_store_idx %arg5[%shift_right_logical3A_55, %and3A_57], %broadcast_in_dim3A_36 {add = true} : memref<80x128xf32, #tpu.memory_space<vmem>>[vector<16xi32>, vector<16xi32>], vector<16xf32>,
    }
    %scan3A_42 = arith.constant 640 : i32
    %barrier3A_43 = arith.constant 0 : index
    tpu.barrier barrier_id(%barrier3A_43)
    "tpu.region"() ({
      %run_scoped3A = tpu.sem_alloc : memref<!tpu.dma_semaphore, #tpu.memory_space<semaphore_mem>>
      %dma_start3A = arith.constant 0 : i32
      %dma_start3A_50 = arith.constant 0 : i32
      %dma_start3A_51 = tpu.memref_slice %arg7[%dma_start3A, %dma_start3A_50] : memref<80x128xf32, #tpu.memory_space<vmem_shared>> -> memref<80x128xf32, #tpu.memory_space<vmem_shared>>
      tpu.enqueue_indirect_dma source(%arg5 : memref<80x128xf32, #tpu.memory_space<vmem>>) target(%dma_start3A_51 : memref<80x128xf32, #tpu.memory_space<vmem_shared>>) offsets(%arg6 : memref<80xi32, #tpu.memory_space<vmem>>) semaphore(%run_scoped3A : memref<!tpu.dma_semaphore, #tpu.memory_space<semaphore_mem>>) {add = true}
      %dma_wait3A = arith.constant 0 : i32
      %dma_wait3A_52 = arith.constant 0 : i32
      %dma_wait3A_53 = tpu.memref_slice %arg7[%dma_wait3A, %dma_wait3A_52] : memref<80x128xf32, #tpu.memory_space<vmem_shared>> -> memref<80x128xf32, #tpu.memory_space<vmem_shared>>
      tpu.wait_indirect_dma semaphore(%run_scoped3A : memref<!tpu.dma_semaphore, #tpu.memory_space<semaphore_mem>>) src(%arg5 : memref<80x128xf32, #tpu.memory_space<vmem>>) dst(%dma_wait3A_53 : memref<80x128xf32, #tpu.memory_space<vmem_shared>>)
      tpu.yield
    }) : () -> ()
    %barrier3A_44 = arith.constant 0 : index
    tpu.barrier barrier_id(%barrier3A_44)
    %eq3A_45 = arith.constant 0 : i32
    %eq3A_46 = arith.cmpi eq, %arg1, %eq3A_45 : i32
    %convert_element_type3A_47 = arith.extui %eq3A_46 : i1 to i32
    %cond3A_48 = arith.constant 0 : i32
    %cond3A_49 = arith.cmpi ne, %convert_element_type3A_47, %cond3A_48 : i32
    scf.if %cond3A_49 {
      "tpu.region"() ({
        %run_scoped3A = tpu.sem_alloc : memref<!tpu.dma_semaphore, #tpu.memory_space<semaphore_mem>>
        %dma_start3A = arith.constant 0 : i32
        %dma_start3A_50 = arith.constant 0 : i32
        %dma_start3A_51 = tpu.memref_slice %arg3[%arg0, %dma_start3A, %dma_start3A_50] : memref<2x80x128xf32, #tpu.memory_space<hbm>> -> memref<1x80x128xf32, #tpu.memory_space<hbm>>
        %dma_start3A_52 = tpu.memref_squeeze %dma_start3A_51 : memref<1x80x128xf32, #tpu.memory_space<hbm>> -> memref<80x128xf32, #tpu.memory_space<hbm>>
        tpu.enqueue_dma source(%arg7 : memref<80x128xf32, #tpu.memory_space<vmem_shared>>) target(%dma_start3A_52 : memref<80x128xf32, #tpu.memory_space<hbm>>) target_semaphore(%run_scoped3A : memref<!tpu.dma_semaphore, #tpu.memory_space<semaphore_mem>>)
        %dma_wait3A = arith.constant 0 : i32
        %dma_wait3A_53 = arith.constant 0 : i32
        %dma_wait3A_54 = tpu.memref_slice %arg3[%arg0, %dma_wait3A, %dma_wait3A_53] : memref<2x80x128xf32, #tpu.memory_space<hbm>> -> memref<1x80x128xf32, #tpu.memory_space<hbm>>
        %dma_wait3A_55 = tpu.memref_squeeze %dma_wait3A_54 : memref<1x80x128xf32, #tpu.memory_space<hbm>> -> memref<80x128xf32, #tpu.memory_space<hbm>>
        tpu.wait_dma2 semaphore(%run_scoped3A : memref<!tpu.dma_semaphore, #tpu.memory_space<semaphore_mem>>) src(%arg7 : memref<80x128xf32, #tpu.memory_space<vmem_shared>>) dst(%dma_wait3A_55 : memref<80x128xf32, #tpu.memory_space<hbm>>)
        tpu.yield
      }) : () -> ()
    } else {
    }
    return
  }
}

module attributes {stable_mosaic.version = 14 : i64} {
  func.func @_linear_body(%arg0: i32, %arg1: memref<1000x128xf32, #tpu.memory_space<vmem>>, %arg2: memref<128x128xf32, #tpu.memory_space<vmem>>, %arg3: memref<1000x1xf32, #tpu.memory_space<vmem>>, %arg4: memref<1000x1xf32, #tpu.memory_space<vmem>>, %arg5: memref<1000x128xf32, #tpu.memory_space<vmem>>, %arg6: memref<1000x16xf32, #tpu.memory_space<vmem>>, %arg7: memref<1000x16xf32, #tpu.memory_space<vmem>>) attributes {dimension_semantics = [#tpu.dimension_semantics<arbitrary>], iteration_bounds = array<i64: 10>, scalar_prefetch = 0 : i64, scratch_operands = 0 : i64, tpu.core_type = #tpu.core_type<tc>, window_params = [{transform_indices = @transform_0, window_bounds = array<i64: 1000, 128>}, {pipeline_mode = #tpu.pipeline_mode<synchronous>, transform_indices = @transform_1, window_bounds = array<i64: 128, 128>}, {transform_indices = @transform_2, window_bounds = array<i64: 1000, 1>}, {transform_indices = @transform_3, window_bounds = array<i64: 1000, 1>}, {transform_indices = @transform_4, window_bounds = array<i64: 1000, 128>}, {transform_indices = @transform_5, window_bounds = array<i64: 1000, 16>}, {transform_indices = @transform_6, window_bounds = array<i64: 1000, 16>}]} {
    %get3A = arith.constant 0 : index
    %get3A_0 = arith.constant 0 : index
    %get3A_1 = vector.load %arg1[%get3A, %get3A_0] : memref<1000x128xf32, #tpu.memory_space<vmem>>, vector<1000x128xf32>
    %get3A_2 = arith.constant 0 : index
    %get3A_3 = arith.constant 0 : index
    %get3A_4 = vector.load %arg3[%get3A_2, %get3A_3] : memref<1000x1xf32, #tpu.memory_space<vmem>>, vector<1000x1xf32>
    %get3A_5 = arith.constant 0 : index
    %get3A_6 = arith.constant 0 : index
    %get3A_7 = vector.load %arg4[%get3A_5, %get3A_6] : memref<1000x1xf32, #tpu.memory_space<vmem>>, vector<1000x1xf32>
    %add3A = arith.addf %get3A_4, %get3A_7 : vector<1000x1xf32>
    %add3A_8 = arith.constant 1.000000e+00 : f32
    %add3A_9 = vector.broadcast %add3A_8 : f32 to vector<1000x1xf32>
    %add3A_10 = arith.addf %add3A, %add3A_9 : vector<1000x1xf32>
    %rsqrt3A = math.rsqrt %add3A_10 : vector<1000x1xf32>
    %get3A_11 = arith.constant 0 : index
    %get3A_12 = arith.constant 0 : index
    %get3A_13 = vector.load %arg2[%get3A_11, %get3A_12] : memref<128x128xf32, #tpu.memory_space<vmem>>, vector<128x128xf32>
    %dot_general3A = arith.constant dense<0.000000e+00> : vector<1000x128xf32>
    %dot_general3A_14 = tpu.matmul %get3A_1, %get3A_13, %dot_general3A {dimension_numbers = #tpu.dot_dimension_numbers<[1], [0], [0], [1], [0, 0, 1, 1], [], []>, transpose_lhs_hint = false} : vector<1000x128xf32>, vector<128x128xf32>, vector<1000x128xf32> -> vector<1000x128xf32>
    %mul3A = vector.broadcast %rsqrt3A : vector<1000x1xf32> to vector<1000x128xf32>
    %mul3A_15 = arith.mulf %dot_general3A_14, %mul3A : vector<1000x128xf32>
    %swap3A = arith.constant 0 : index
    %swap3A_16 = arith.constant 0 : index
    %swap3A_17 = vector.load %arg5[%swap3A, %swap3A_16] : memref<1000x128xf32, #tpu.memory_space<vmem>>, vector<1000x128xf32>
    tpu.vector_store %arg5[%swap3A, %swap3A_16], %mul3A_15 {strides = array<i32>} : memref<1000x128xf32, #tpu.memory_space<vmem>>, vector<1000x128xf32>,
    %broadcast_in_dim3A = vector.shape_cast %rsqrt3A : vector<1000x1xf32> to vector<1000x1xf32>
    %broadcast_in_dim3A_18 = vector.broadcast %broadcast_in_dim3A : vector<1000x1xf32> to vector<1000x16xf32>
    %swap3A_19 = arith.constant 0 : index
    %swap3A_20 = arith.constant 0 : index
    %swap3A_21 = vector.load %arg6[%swap3A_19, %swap3A_20] : memref<1000x16xf32, #tpu.memory_space<vmem>>, vector<1000x16xf32>
    tpu.vector_store %arg6[%swap3A_19, %swap3A_20], %broadcast_in_dim3A_18 {strides = array<i32>} : memref<1000x16xf32, #tpu.memory_space<vmem>>, vector<1000x16xf32>,
    %mul3A_22 = arith.mulf %get3A_1, %get3A_1 : vector<1000x128xf32>
    %reduce_sum3A = arith.constant dense<0.000000e+00> : vector<1000xf32>
    %reduce_sum3A_23 = vector.multi_reduction <add>, %mul3A_22, %reduce_sum3A [1] : vector<1000x128xf32> to vector<1000xf32>
    %broadcast_in_dim3A_24 = vector.shape_cast %reduce_sum3A_23 : vector<1000xf32> to vector<1000x1xf32>
    %sqrt3A = math.sqrt %broadcast_in_dim3A_24 : vector<1000x1xf32>
    %broadcast_in_dim3A_25 = vector.shape_cast %sqrt3A : vector<1000x1xf32> to vector<1000x1xf32>
    %broadcast_in_dim3A_26 = vector.broadcast %broadcast_in_dim3A_25 : vector<1000x1xf32> to vector<1000x16xf32>
    %swap3A_27 = arith.constant 0 : index
    %swap3A_28 = arith.constant 0 : index
    %swap3A_29 = vector.load %arg7[%swap3A_27, %swap3A_28] : memref<1000x16xf32, #tpu.memory_space<vmem>>, vector<1000x16xf32>
    tpu.vector_store %arg7[%swap3A_27, %swap3A_28], %broadcast_in_dim3A_26 {strides = array<i32>} : memref<1000x16xf32, #tpu.memory_space<vmem>>, vector<1000x16xf32>,
    return
  }
  func.func @transform_0(%arg0: i32) -> (i32, i32) {
    %c0_i32 = arith.constant 0 : i32
    %c0_i32_0 = arith.constant 0 : i32
    return %arg0, %c0_i32 : i32, i32
  }
  func.func @transform_1(%arg0: i32) -> (i32, i32) {
    %c0_i32 = arith.constant 0 : i32
    %c0_i32_0 = arith.constant 0 : i32
    %c0_i32_1 = arith.constant 0 : i32
    return %c0_i32, %c0_i32_0 : i32, i32
  }
  func.func @transform_2(%arg0: i32) -> (i32, i32) {
    %c0_i32 = arith.constant 0 : i32
    %c0_i32_0 = arith.constant 0 : i32
    return %arg0, %c0_i32 : i32, i32
  }
  func.func @transform_3(%arg0: i32) -> (i32, i32) {
    %c0_i32 = arith.constant 0 : i32
    %c0_i32_0 = arith.constant 0 : i32
    return %arg0, %c0_i32 : i32, i32
  }
  func.func @transform_4(%arg0: i32) -> (i32, i32) {
    %c0_i32 = arith.constant 0 : i32
    %c0_i32_0 = arith.constant 0 : i32
    return %arg0, %c0_i32 : i32, i32
  }
  func.func @transform_5(%arg0: i32) -> (i32, i32) {
    %c0_i32 = arith.constant 0 : i32
    %c0_i32_0 = arith.constant 0 : i32
    return %arg0, %c0_i32 : i32, i32
  }
  func.func @transform_6(%arg0: i32) -> (i32, i32) {
    %c0_i32 = arith.constant 0 : i32
    %c0_i32_0 = arith.constant 0 : i32
    return %arg0, %c0_i32 : i32, i32
  }
}

module attributes {stable_mosaic.version = 14 : i64} {
  func.func @_final_body(%arg0: i32, %arg1: memref<1000x16xf32, #tpu.memory_space<vmem>>, %arg2: memref<1000x128xf32, #tpu.memory_space<vmem>>, %arg3: memref<1x1000x128xf32, #tpu.memory_space<vmem>>, %arg4: memref<1x1000x128xf32, #tpu.memory_space<vmem>>, %arg5: memref<1000x16xf32, #tpu.memory_space<vmem>>, %arg6: memref<1x128xf32, #tpu.memory_space<vmem>>, %arg7: memref<1x1xf32, #tpu.memory_space<smem>>, %arg8: memref<1000x128xf32, #tpu.memory_space<vmem>>) attributes {dimension_semantics = [#tpu.dimension_semantics<arbitrary>], iteration_bounds = array<i64: 10>, scalar_prefetch = 0 : i64, scratch_operands = 0 : i64, tpu.core_type = #tpu.core_type<tc>, window_params = [{transform_indices = @transform_0, window_bounds = array<i64: 1000, 16>}, {transform_indices = @transform_1, window_bounds = array<i64: 1000, 128>}, {transform_indices = @transform_2, window_bounds = array<i64: 1, 1000, 128>}, {transform_indices = @transform_3, window_bounds = array<i64: 1, 1000, 128>}, {transform_indices = @transform_4, window_bounds = array<i64: 1000, 16>}, {pipeline_mode = #tpu.pipeline_mode<synchronous>, transform_indices = @transform_5, window_bounds = array<i64: 1, 128>}, {transform_indices = @transform_6, window_bounds = array<i64: 1, 1>}, {transform_indices = @transform_7, window_bounds = array<i64: 1000, 128>}]} {
    %get3A = arith.constant 0 : index
    %get3A_0 = arith.constant 0 : index
    %get3A_1 = arith.constant 0 : index
    %get3A_2 = vector.load %arg3[%get3A, %get3A_0, %get3A_1] : memref<1x1000x128xf32, #tpu.memory_space<vmem>>, vector<1x1000x128xf32>
    %get3A_3 = vector.shape_cast %get3A_2 : vector<1x1000x128xf32> to vector<1000x128xf32>
    %get3A_4 = arith.constant 0 : index
    %get3A_5 = arith.constant 0 : index
    %get3A_6 = arith.constant 0 : index
    %get3A_7 = vector.load %arg4[%get3A_4, %get3A_5, %get3A_6] : memref<1x1000x128xf32, #tpu.memory_space<vmem>>, vector<1x1000x128xf32>
    %get3A_8 = vector.shape_cast %get3A_7 : vector<1x1000x128xf32> to vector<1000x128xf32>
    %add3A = arith.addf %get3A_3, %get3A_8 : vector<1000x128xf32>
    %get3A_9 = arith.constant 0 : index
    %get3A_10 = arith.constant 0 : index
    %get3A_11 = vector.load %arg2[%get3A_9, %get3A_10] : memref<1000x128xf32, #tpu.memory_space<vmem>>, vector<1000x128xf32>
    %add3A_12 = arith.addf %add3A, %get3A_11 : vector<1000x128xf32>
    %get3A_13 = arith.constant 0 : index
    %get3A_14 = arith.constant 0 : index
    %get3A_15 = vector.load %arg5[%get3A_13, %get3A_14] : memref<1000x16xf32, #tpu.memory_space<vmem>>, vector<1000x1xf32>
    %mul3A = vector.broadcast %get3A_15 : vector<1000x1xf32> to vector<1000x128xf32>
    %mul3A_16 = arith.mulf %mul3A, %add3A_12 : vector<1000x128xf32>
    %get3A_17 = arith.constant 0 : index
    %get3A_18 = arith.constant 0 : index
    %get3A_19 = vector.load %arg6[%get3A_17, %get3A_18] : memref<1x128xf32, #tpu.memory_space<vmem>>, vector<1x128xf32>
    %add3A_20 = vector.broadcast %get3A_19 : vector<1x128xf32> to vector<1000x128xf32>
    %add3A_21 = arith.addf %mul3A_16, %add3A_20 : vector<1000x128xf32>
    %mul3A_22 = arith.mulf %add3A_21, %add3A_21 : vector<1000x128xf32>
    %reduce_sum3A = arith.constant dense<0.000000e+00> : vector<1000xf32>
    %reduce_sum3A_23 = vector.multi_reduction <add>, %mul3A_22, %reduce_sum3A [1] : vector<1000x128xf32> to vector<1000xf32>
    %broadcast_in_dim3A = vector.shape_cast %reduce_sum3A_23 : vector<1000xf32> to vector<1000x1xf32>
    %sqrt3A = math.sqrt %broadcast_in_dim3A : vector<1000x1xf32>
    %max3A = arith.constant 9.99999996E-13 : f32
    %max3A_24 = vector.broadcast %max3A : f32 to vector<1000x1xf32>
    %max3A_25 = arith.maximumf %sqrt3A, %max3A_24 : vector<1000x1xf32>
    %div3A = vector.broadcast %max3A_25 : vector<1000x1xf32> to vector<1000x128xf32>
    %div3A_26 = arith.divf %add3A_21, %div3A : vector<1000x128xf32>
    %get3A_27 = arith.constant 0 : index
    %get3A_28 = arith.constant 0 : index
    %get3A_29 = vector.load %arg1[%get3A_27, %get3A_28] : memref<1000x16xf32, #tpu.memory_space<vmem>>, vector<1000x1xf32>
    %mul3A_30 = vector.broadcast %get3A_29 : vector<1000x1xf32> to vector<1000x128xf32>
    %mul3A_31 = arith.mulf %div3A_26, %mul3A_30 : vector<1000x128xf32>
    %get3A_32 = arith.constant 0 : index
    %get3A_33 = arith.constant 0 : index
    %get3A_34 = memref.load %arg7[%get3A_32, %get3A_33] : memref<1x1xf32, #tpu.memory_space<smem>>
    %mul3A_35 = vector.broadcast %get3A_34 : f32 to vector<1000x128xf32>
    %mul3A_36 = arith.mulf %mul3A_31, %mul3A_35 : vector<1000x128xf32>
    %mul3A_37 = arith.constant 5.000000e-01 : f32
    %mul3A_38 = vector.broadcast %mul3A_37 : f32 to vector<1000x128xf32>
    %mul3A_39 = arith.mulf %mul3A_38, %mul3A_36 : vector<1000x128xf32>
    %mul3A_40 = arith.constant 0.707106769 : f32
    %mul3A_41 = vector.broadcast %mul3A_40 : f32 to vector<1000x128xf32>
    %mul3A_42 = arith.mulf %mul3A_36, %mul3A_41 : vector<1000x128xf32>
    %erf3A = math.erf %mul3A_42 : vector<1000x128xf32>
    %add3A_43 = arith.constant 1.000000e+00 : f32
    %add3A_44 = vector.broadcast %add3A_43 : f32 to vector<1000x128xf32>
    %add3A_45 = arith.addf %add3A_44, %erf3A : vector<1000x128xf32>
    %mul3A_46 = arith.mulf %mul3A_39, %add3A_45 : vector<1000x128xf32>
    %swap3A = arith.constant 0 : index
    %swap3A_47 = arith.constant 0 : index
    %swap3A_48 = vector.load %arg8[%swap3A, %swap3A_47] : memref<1000x128xf32, #tpu.memory_space<vmem>>, vector<1000x128xf32>
    tpu.vector_store %arg8[%swap3A, %swap3A_47], %mul3A_46 {strides = array<i32>} : memref<1000x128xf32, #tpu.memory_space<vmem>>, vector<1000x128xf32>,
    return
  }
  func.func @transform_0(%arg0: i32) -> (i32, i32) {
    %c0_i32 = arith.constant 0 : i32
    %c0_i32_0 = arith.constant 0 : i32
    return %arg0, %c0_i32 : i32, i32
  }
  func.func @transform_1(%arg0: i32) -> (i32, i32) {
    %c0_i32 = arith.constant 0 : i32
    %c0_i32_0 = arith.constant 0 : i32
    return %arg0, %c0_i32 : i32, i32
  }
  func.func @transform_2(%arg0: i32) -> (i32, i32, i32) {
    %c0_i32 = arith.constant 0 : i32
    %c0_i32_0 = arith.constant 0 : i32
    %c0_i32_1 = arith.constant 0 : i32
    return %c0_i32, %arg0, %c0_i32_0 : i32, i32, i32
  }
  func.func @transform_3(%arg0: i32) -> (i32, i32, i32) {
    %c1_i32 = arith.constant 1 : i32
    %c0_i32 = arith.constant 0 : i32
    %c0_i32_0 = arith.constant 0 : i32
    return %c1_i32, %arg0, %c0_i32 : i32, i32, i32
  }
  func.func @transform_4(%arg0: i32) -> (i32, i32) {
    %c0_i32 = arith.constant 0 : i32
    %c0_i32_0 = arith.constant 0 : i32
    return %arg0, %c0_i32 : i32, i32
  }
  func.func @transform_5(%arg0: i32) -> (i32, i32) {
    %c0_i32 = arith.constant 0 : i32
    %c0_i32_0 = arith.constant 0 : i32
    %c0_i32_1 = arith.constant 0 : i32
    return %c0_i32, %c0_i32_0 : i32, i32
  }
  func.func @transform_6(%arg0: i32) -> (i32, i32) {
    %c0_i32 = arith.constant 0 : i32
    %c0_i32_0 = arith.constant 0 : i32
    %c0_i32_1 = arith.constant 0 : i32
    return %c0_i32, %c0_i32_0 : i32, i32
  }
  func.func @transform_7(%arg0: i32) -> (i32, i32) {
    %c0_i32 = arith.constant 0 : i32
    %c0_i32_0 = arith.constant 0 : i32
    return %arg0, %c0_i32 : i32, i32
  }
}

</mosaic_0001>

<sc_bundles>
// kernel: kernel.6.cloned.1.call-start
scs
__scs_entry_jumppad:
0x0: {  	(pc) =	sbr.rel $0x88, $3  }
0x1: {  	(tag) =	ssettag $0x0;
	lr =	simm.s32 $0x1  }
0x2: {  	[smem:$0x3F9C] =	sst lr;
	_ =	strace $0xD0000000  }
0x3: {  	_ = 	snop  }
0x4: {  	_ = 	snop  }
0x5: {  	_ = 	snop  }
0x6: {  	_ = 	snop  }
0x7: {  	_ = 	snop  }
__scs_overlays_trampoline_lowered:
0x8: {  	[smem:$0x3FAB] =	sst s0  }
0x9: {  	[smem:$0x3FAC] =	sst s1  }
0xa: {  	[smem:$0x3FAD] =	sst s2  }
0xb: {  	[smem:$0x3FAE] =	sst s3  }
0xc: {  	[smem:$0x3FAF] =	sst s4  }
0xd: {  	[smem:$0x3FB0] =	sst s5  }
0xe: {  	[smem:$0x3FB1] =	sst s6  }
0xf: {  	[smem:$0x3FB2] =	sst s7  }
0x10: {  	[smem:$0x3FB3] =	sst s8  }
0x11: {  	[smem:$0x3FB4] =	sst s9;
	s0 =	simm.s32 @!p0 $0x0  }
0x12: {  	s1 =	sld [smem:$0x3F9A];
	s0 =	simm.s32 @p0 $0x1  }
0x13: {  	[smem:$0x3FB5] =	sst s0;
	s0 =	simm.s32 @!p1 $0x0  }
0x14: {  	s2 =	sld [smem:$0x3F99];
	s0 =	simm.s32 @p1 $0x1  }
0x15: {  	[smem:$0x3FB6] =	sst s0;
	s0 =	simm.s32 @!p2 $0x0  }
0x16: {  	s3 =	sld [smem:$0x3FDB];
	s0 =	simm.s32 @p2 $0x1  }
0x17: {  	s4 =	simm.s32 $0x1BF5;
	[smem:$0x3FB8] =	sst s0  }
0x18: {  	s0 =	sld [smem:$0x3F9B];
	_ =	swait.ge [sflag:s4], $0x0  }
0x19: {  	s7 =	sld [smem:$0x3F9C]  }
0x1a: {  	s8 =	sadd.s32 $0xFFFFE003, lr  }
0x1b: {  	s9 =	sadd.s32 $0xFFFFFEF7, lr;
	s5 =	simm.s32 $0xFFFFFFFF;
	p2 =	slt.u32 s8, $0xFFFFF086  }
0x1c: {  	p1 =	slt.u32 s9, $0xF7A;
	s5 =	simm.s32 @!p2 $0x0  }
0x1d: {  	s5 =	simm.s32 @p1 $0x1;
	p0 =	seq.s32 s7, s2  }
0x1e: {  	s7 =	smul.u32 @!p0 $0xF7A, s2;
	p2 =	seq.s32 @!p0 s5, $0x0  }
0x1f: {  	s9 =	smul.u32 $0xF7A, s1;
	s8 =	simm.s32 @!p0 $0x1BF5;
	p2 =	por !p2, p0  }
0x20: {  	[sflag:s8] =	ssyncset.s32 @!p0 $0xFFFFF086;
	s6 =	sadd.s32 @!p0 s3, s7;
	s7 =	simm.s32 @!p0 $0x108  }
0x21: {  	s3 =	sadd.s32 s3, s9;
	s6 =	sadd.s32 @!p0 $0x88, s6;
	s7 =	simm.s32 @p2 $0x1082  }
0x22: {  	[simem:s7], [sflag:s8] =	dma.local @!p0 [hbm:s6], $0xF7A  }
0x23: {  	s9 =	sor.u32 $0xD0000000, s2;
	s6 =	simm.s32 $0x108;
	_ =	swait.ge @!p0 [sflag:s8], $0x0  }
0x24: {  	s3 =	sadd.s32 $0x88, s3;
	s6 =	simm.s32 @!p1 $0x1082;
	[sflag:s4] =	ssyncset.s32 $0xFFFFF086  }
0x25: {  	[simem:s6], [sflag:s4] =	dma.local [hbm:s3], $0xF7A  }
0x26: {  	[smem:$0x3F9C] =	sst s1;
	(tag) =	ssettag s2;
	_ =	strace s9  }
0x27: {  	s1 =	sld [smem:$0x3FAC]  }
0x28: {  	s2 =	sld [smem:$0x3FAD]  }
0x29: {  	s4 =	sld [smem:$0x3FAF]  }
0x2a: {  	p0 =	seq.s32 s5, $0x0;
	s5 =	sld [smem:$0x3FB0]  }
0x2b: {  	s6 =	sld [smem:$0x3FB1]  }
0x2c: {  	s7 =	sld [smem:$0x3FB2]  }
0x2d: {  	s3 =	simm.s32 $0x108;
	s8 =	sld [smem:$0x3FB3]  }
0x2e: {  	s3 =	simm.s32 @!p0 $0x1082;
	s9 =	sld [smem:$0x3FB4]  }
0x2f: {  	lr =	sadd.s32 s0, s3;
	s0 =	sld [smem:$0x3FAB]  }
0x30: {  	s3 =	sld [smem:$0x3FAE]  }
0x31: {  	[smem:$0x3FB7] =	sst s10  }
0x32: {  	s10 =	sld [smem:$0x3FB5];
	_ =	sdelay $0x3  }
0x33: {  	p0 =	seq.s32 s10, $0x1;
	s10 =	sld [smem:$0x3FB7];
	_ =	sdelay $0x3  }
0x34: {  	[smem:$0x3FB7] =	sst s10  }
0x35: {  	s10 =	sld [smem:$0x3FB6];
	_ =	sdelay $0x3  }
0x36: {  	p1 =	seq.s32 s10, $0x1;
	s10 =	sld [smem:$0x3FB7];
	_ =	sdelay $0x3  }
0x37: {  	[smem:$0x3FB7] =	sst s10  }
0x38: {  	s10 =	sld [smem:$0x3FB8]  }
0x39: {  	_ = 	snop;
	(pc) =	sbr.ind lr, $3  }
0x3a: {  	_ = 	snop  }
0x3b: {  	_ = 	snop  }
0x3c: {  	p2 =	seq.s32 s10, $0x1;
	s10 =	sld [smem:$0x3FB7]  }
0x3d: {  	_ =	shalt  }
0x3e: {  	_ =	shalt  }
0x3f: {  	_ =	shalt  }
0x40: {  	_ =	shalt  }
0x41: {  	_ =	shalt  }
0x42: {  	_ =	shalt  }
0x43: {  	_ =	shalt  }
0x44: {  	_ =	shalt  }
0x45: {  	_ =	shalt  }
0x46: {  	_ =	shalt  }
0x47: {  	_ =	shalt  }
0x48: {  	_ =	shalt  }
0x49: {  	_ =	shalt  }
0x4a: {  	_ =	shalt  }
0x4b: {  	_ =	shalt  }
0x4c: {  	_ =	shalt  }
0x4d: {  	_ =	shalt  }
0x4e: {  	_ =	shalt  }
0x4f: {  	_ =	shalt  }
0x50: {  	_ =	shalt  }
0x51: {  	_ =	shalt  }
0x52: {  	_ =	shalt  }
0x53: {  	_ =	shalt  }
0x54: {  	_ =	shalt  }
0x55: {  	_ =	shalt  }
0x56: {  	_ =	shalt  }
0x57: {  	_ =	shalt  }
0x58: {  	_ =	shalt  }
0x59: {  	_ =	shalt  }
0x5a: {  	_ =	shalt  }
0x5b: {  	_ =	shalt  }
0x5c: {  	_ =	shalt  }
0x5d: {  	_ =	shalt  }
0x5e: {  	_ =	shalt  }
0x5f: {  	_ =	shalt  }
0x60: {  	_ =	shalt  }
0x61: {  	_ =	shalt  }
0x62: {  	_ =	shalt  }
0x63: {  	_ =	shalt  }
0x64: {  	_ =	shalt  }
0x65: {  	_ =	shalt  }
0x66: {  	_ =	shalt  }
0x67: {  	_ =	shalt  }
0x68: {  	_ =	shalt  }
0x69: {  	_ =	shalt  }
0x6a: {  	_ =	shalt  }
0x6b: {  	_ =	shalt  }
0x6c: {  	_ =	shalt  }
0x6d: {  	_ =	shalt  }
0x6e: {  	_ =	shalt  }
0x6f: {  	_ =	shalt  }
0x70: {  	_ =	shalt  }
0x71: {  	_ =	shalt  }
0x72: {  	_ =	shalt  }
0x73: {  	_ =	shalt  }
0x74: {  	_ =	shalt  }
0x75: {  	_ =	shalt  }
0x76: {  	_ =	shalt  }
0x77: {  	_ =	shalt  }
0x78: {  	_ =	shalt  }
0x79: {  	_ =	shalt  }
0x7a: {  	_ =	shalt  }
0x7b: {  	_ =	shalt  }
0x7c: {  	_ =	shalt  }
0x7d: {  	_ =	shalt  }
0x7e: {  	_ =	shalt  }
0x7f: {  	_ =	shalt  }
0x80: {  	_ =	shalt  }
0x81: {  	_ =	shalt  }
0x82: {  	_ =	shalt  }
0x83: {  	_ =	shalt  }
0x84: {  	_ =	shalt  }
0x85: {  	_ =	shalt  }
0x86: {  	_ =	shalt  }
0x87: {  	_ =	shalt  }
.Lfunc_end0:
.L_simem_size_0:
called_computation_lowered:
.L_overlay_start_0:
0x88: {  	s2 =	sld [smem:$0x3FD9]  }
0x89: {  	s3 =	sld [smem:$0x3FFE];
	_ =	sdelay $0x1  }
0x8a: {  	s1 =	srdreg.scid  }
0x8b: {  	s0 =	sand.u32 $0x1, s1  }
0x8c: {  	s17 =	sshll.u32 s0, $0xA;
	s2 =	sadd.s32 s3, s2  }
0x8d: {  	s2 =	sadd.s32 s2, s17  }
0x8e: {  	[smem:$0x3FC3] =	sst s2  }
0x8f: {  	_ = 	snop  }
0x90: {  	s2 =	sld [smem:$0x3FD0];
	(tm) =	ssettm $0x1  }
0x91: {  	s18 =	sld [smem:$0x3FFB];
	_ =	sdelay $0x3  }
0x92: {  	_ =	strace s18  }
0x93: {  	s3 =	sld [smem:$0x3FFC];
	_ =	sdelay $0x3  }
0x94: {  	_ =	strace s3  }
0x95: {  	s3 =	sld [smem:$0x3FFD];
	_ =	sdelay $0x3  }
0x96: {  	_ =	strace s3  }
0x97: {  	_ =	strace $0x8FFFFFFF  }
0x98: {  	s19 =	sld [smem:$0x3FDB];
	_ =	sdelay $0x1  }
0x99: {  	s4 =	simm.s32 $_scs_section_size  }
0x9a: {  	s5 =	simm.s32 $_size__tile_overlayer_lowered;
	s6 =	simm.s32 $_tile_overlayer_lowered  }
0x9b: {  	s22 =	simm.s32 $0x1BFF;
	s21 =	sshll.u32 s6, $0x1;
	s3 =	sadd.s32 s4, s19  }
0x9c: {  	s7 =	simm.s32 $0x0;
	s20 =	sshll.u32 s5, $0x1;
	s5 =	sadd.s32 s21, s3  }
0x9d: {  	[timem:s7], [sflag:s22] =	dma.local [hbm:s5], s20  }
0x9e: {  	_ =	swait.ge [sflag:s22], s20  }
0x9f: {  	s4 =	ssub.s32 $0x0, s20;
	[sflag:s22] =	ssyncset.done $0x0  }
0xa0: {  	[sflag:s22] =	ssyncadd.s32 s4;
	_ =	sdelay $0x1  }
0xa1: {  	s23 =	simm.s32 $0x1B8B  }
0xa2: {  	_ =	swait.ge [sflag:s23], $0x1  }
0xa3: {  	[sflag:s23] =	ssyncset.done $0x0  }
0xa4: {  	s25 =	simm.s32 $0x1B8E;
	s24 =	sld [smem:$0x3FFE];
	[sflag:s23] =	ssyncadd.s32 $0xFFFFFFFF  }
0xa5: {  	s26 =	simm.s32 $execute0_lowered;
	[smem:$0x3FD2] =	sst s25  }
0xa6: {  	s5 =	sshll.u32 s26, $0x1;
	_ =	strace $0x80000046;
	[dreg:$0x1] =	wrdreg $0xFFFFFFFF  }
0xa7: {  	s28 =	simm.s32 $_size_execute0_lowered;
	s3 =	sadd.s32 s3, s5;
	[dreg:$0x0] =	wrdreg $0x0  }
0xa8: {  	s5 =	sshll.u32 s28, $0x1;
	[dreg:$0x2] =	wrdreg s3  }
0xa9: {  	[dreg:$0x3] =	wrdreg s5  }
0xaa: {  	[dreg:$0x4] =	wrdreg $0xC0  }
0xab: {  	_ =	task [dreg:s7], $0x5FFFF  }
0xac: {  	[dreg:$0x1] =	wrdreg $0xFFFFFFFF  }
0xad: {  	[dreg:$0x0] =	wrdreg $0x60  }
0xae: {  	[dreg:$0x2] =	wrdreg s2  }
0xaf: {  	[dreg:$0x3] =	wrdreg s24  }
0xb0: {  	[dreg:$0x4] =	wrdreg $0x50800  }
0xb1: {  	[dreg:$0x5] =	wrdreg $0x9  }
0xb2: {  	_ =	task.clear_ibuf [dreg:s7], $0x6FFFF;
	_ =	strace $0x90000046  }
0xb3: {  	s29 =	simm.s32 $0x9;
	_ =	strace $0x80000048  }
0xb4: {  	_ =	swait.ge [sflag:s29], $0x1  }
0xb5: {  	[sflag:s29] =	ssyncadd.s32 $0xFFFFFFFF  }
0xb6: {  	_ =	strace $0x90000048  }
0xb7: {  	_ =	sfence  }
0xb8: {  	s30 =	sld [smem:$0x0];
	_ =	sdelay $0x2  }
0xb9: {  	s31 =	sshll.u32 s1, $0xD;
	s1 =	sshrl.u32 s1, $0x2  }
0xba: {  	s3 =	sand.u32 $0x4000, s31;
	s1 =	sadd.s32 s1, s30  }
0xbb: {  	s0 =	sor.u32 s3, s0;
	s1 =	sshll.u32 s1, $0x11  }
0xbc: {  	s0 =	sor.u32 s1, s0  }
0xbd: {  	s0 =	sadd.s32 $0x8F2B, s0  }
0xbe: {  	[sflag:s0] =	ssyncadd.remote.s32 $0x1  }
0xbf: {  	_ =	sfence.sel $0xFFFF  }
0xc0: {  	[dreg:$0x0] =	wrdreg $0xFFFFFFFF;
	(pc) =	sbr.abs _section_cstart, $3  }
0xc1: {  	[dreg:$0x1] =	wrdreg $0xFFFFFFFF  }
0xc2: {  	_ =	task.clear_ibuf [dreg:s7], $0x2FFFF;
	_ =	strace $0x9FFFFFFF  }
0xc3: {  	(tm) =	ssettm $0x7FFFFFFF  }
tec
execute0_lowered:
.L_overlay_start_1:
0x0: {  	(tag) =	ssettag $0x1  }
0x1: {  	s3 =	rddreg [dreg:$0x0]  }
0x2: {  	s0 =	srdreg.scid;
	s5 =	rddreg [dreg:$0x1]  }
0x3: {  	s9 =	stileid.u32;
	s1 =	rddreg [dreg:$0x2]  }
0x4: {  	s2 =	simm.s32 $0x0;
	s11 =	simm.s32 $0x5000;
	s13 =	simm.s32 $0x0  }
0x5: {  	s4 =	sand.u32 $0x1, s0;
	[smem:$0x7FF] =	sst s2;
	s7 =	sshll.u32 s9, $0x7  }
0x6: {  	p0 =	sne.s32 s9, $0x0;
	s0 =	sshll.u32 s4, $0x4;
	s8 =	smul.u32 $0x500, s4  }
0x7: {  	s4 =	ssub.s32 $0x2, s4;
	s7 =	sand.u32 $0x380, s7;
	s6 =	sor.u32 s9, s0  }
0x8: {  	s12 =	sshrl.u32 @!p0 s1, $0x3;
	s0 =	rddreg [dreg:$0x3];
	s6 =	sshrl.u32 s6, $0x3  }
0x9: {  	_ =	strace $0x80000047;
	s10 =	sshrl.u32 s4, $0x1;
	s6 =	smul.u32 $0x14000, s6  }
0xa: {  	s9 =	simm.s32 $0x2800;
	s5 =	sadd.s32 s8, s5;
	s30 =	ssub.s32 s4, s10  }
0xb: {  	v0 =	vlaneseq.u32;
	s8 =	simm.s32 $0x1;
	s10 =	simm.s32 $0x50;
	s6 =	sor.u32 s7, s6  }
0xc: {  	v1 =	vimm.f32 $0.0e+00;
	v6 =	vimm.f32 $1.000000000e+00;
	v2 =	vor.u32 $0x10, v0;
	s4 =	sadd.s32 $0x1A00, s5;
	s5 =	smax.u32 s30, $0x1;
	s31 =	sshrl.u32 s6, $0x3  }
0xd: {  	v3 =	vor.u32 $0x20, v0;
	v4 =	vor.u32 $0x30, v0;
	v5 =	vor.u32 $0x40, v0;
	s7 =	simm.s32 $0x400;
	s6 =	simm.s32 $0x80;
	s3 =	sadd.s32 s3, s31  }
.LBB2_1:
0xe: {  	[tilespmem:s2], [sflag:$0x1] =	stream.strided.gather [hbm4b:s3+s6], $0x2800, s7, s6, $0x38;
	[tilespmem:$0x5300] =	vst v63  }
0xf: {  	_ =	swait.ge [sflag:s8], $0x2800  }
0x10: {  	[sflag:s8] =	ssyncset.done $0x0  }
0x11: {  	s14 =	simm.s32 $0x10;
	s15 =	sand.u32 $0x3FF0, s2;
	[sflag:s8] =	ssyncadd.s32 $0xFFFFD800  }
.LBB2_2:
0x12: {  	p1 =	sne.s32 s14, $0x27F0;
	[tilespmem:s15+$0x2800] =	vst v1;
	s15 =	smov.u32 s14;
	s14 =	sadd.s32 $0x10, s14  }
.Ltmp0:
0x13: {  	(pc) =	sbr.rel @p1 .LBB2_2-.Ltmp0, $2  }
0x14: {  	_ =	sdelay $0x2  }
0x15: {  	s15 =	sand.u32 $0x3FF0, s15  }
0x16: {  	[tilespmem:s15+$0x2800] =	vst v1  }
0x17: {  	[tilespmem:$0x5000] =	vst v0  }
0x18: {  	[tilespmem:$0x5010] =	vst v2  }
0x19: {  	[tilespmem:$0x5020] =	vst v3  }
0x1a: {  	[tilespmem:$0x5030] =	vst v4  }
0x1b: {  	s14 =	simm.s32 @!p0 $0x2800;
	[tilespmem:$0x5040] =	vst v5  }
0x1c: {  	[spmem:s1] =	stream.linear.scatter @!p0 [tilespmem:s14], [sflag:$0x1], $0x2800, $0x38;
	[tilespmem:$0x5300] =	vst v63  }
0x1d: {  	s14 =	simm.s32 @!p0 $0x1  }
0x1e: {  	_ =	swait.ge @!p0 [sflag:s14], $0x2800  }
0x1f: {  	[sflag:s14] =	ssyncset.done @!p0 $0x0  }
0x20: {  	[sflag:s14] =	ssyncadd.s32 @!p0 $0xFFFFD800  }
0x21: {  	s15 =	simm.s32 $0x0;
	s14 =	simm.s32 $0x40;
	[bflag:$0x0] =	sbarrier.arrive $0xFFFF  }
.LBB2_4:
0x22: {  	p1 =	sne.s32 s14, $0x9FC0;
	v7 =	vld [tilespmem:s15+$0x0];
	_ =	sdelay $0x3  }
.Ltmp1:
0x23: {  	(pc) =	sbr.rel @p1 .LBB2_4-.Ltmp1, $2  }
0x24: {  	_ =	sdelay $0x2  }
0x25: {  	s15 =	sshra.s32 s14, $0x2;
	s14 =	sadd.s32 $0x40, s14;
	[tilespmem:v7+s9+$0x0] =	vst.idx.add.f32.msk $0xffff, v6  }
0x26: {  	v7 =	vld [tilespmem:s15+$0x0];
	_ =	sdelay $0x7  }
0x27: {  	[tilespmem:v7+s9+$0x0] =	vst.idx.add.f32.msk $0xffff, v6  }
0x28: {  	[bflag:$0x0] =	sbarrier.arrive $0xFFFF  }
0x29: {  	[spmem:s1] =	stream.indirect.scatter.add.f32 [tilespmem:s9], [sflag:$0x1], $0x80, s11, s10, $0xb8;
	[tilespmem:$0x5300] =	vst v63  }
0x2a: {  	_ =	swait.ge [sflag:s8], $0x2800  }
0x2b: {  	[sflag:s8] =	ssyncset.done $0x0  }
0x2c: {  	s13 =	sadd.s32 $0x1, s13;
	[sflag:s8] =	ssyncadd.s32 $0xFFFFD800  }
0x2d: {  	s14 =	simm.s32 @!p0 $0x1C01;
	p1 =	sne.s32 s13, s5;
	[bflag:$0x0] =	sbarrier.arrive $0xFFFF  }
0x2e: {  	[hbm:s4], [sflag:s14] =	dma.local @!p0 [spmem:s12], $0x500  }
.Ltmp2:
0x2f: {  	_ = 	snop;
	(pc) =	sbr.rel @p1 .LBB2_1-.Ltmp2, $4  }
0x30: {  	s14 =	simm.s32 @!p0 $0x1  }
0x31: {  	_ =	swait.ge @!p0 [sflag:s14], $0x500  }
0x32: {  	[sflag:s14] =	ssyncset.done @!p0 $0x0  }
0x33: {  	[sflag:s14] =	ssyncadd.s32 @!p0 $0xFFFFFB00  }
0x34: {  	_ =	sfence.sel $0x180000  }
0x35: {  	[bflag:$0x0] =	sbarrier.arrive $0xFFFF  }
0x36: {  	_ =	strace $0x90000047  }
0x37: {  	s0 =	sadd.s32 @!p0 $0x100000, s0;
	[bflag:$0x2] =	sbarrier.arrive $0xFFFF  }
0x38: {  	[sflag:s0] =	ssyncadd.tile.s32 @!p0 $0x1;
	_ =	shalt  }
.Lfunc_end2:
_tile_overlayer_lowered:
.L_overlay_start_2:
0x39: {  	(tag) =	ssettag $0x2  }
0x3a: {  	s0 =	rddreg [dreg:$0x0];
	s2 =	stileid.u32  }
0x3b: {  	s1 =	rddreg [dreg:$0x1];
	p0 =	sne.s32 s2, $0x0  }
0x3c: {  	s3 =	rddreg [dreg:$0x2];
	[bflag:$0x3] =	sbarrier.arrive $0xFFFF;
	s2 =	simm.s32 @!p0 $0x1C01  }
0x3d: {  	[timem:s3], [sflag:s2] =	dma.local @!p0 [hbm:s0], s1  }
0x3e: {  	s0 =	simm.s32 @!p0 $0x1  }
0x3f: {  	_ =	swait.ge @!p0 [sflag:s0], s1  }
0x40: {  	s1 =	ssub.s32 @!p0 $0x0, s1;
	[sflag:s0] =	ssyncset.done @!p0 $0x0  }
0x41: {  	[sflag:s0] =	ssyncadd.s32 @!p0 s1  }
0x42: {  	[bflag:$0x3] =	sbarrier.arrive $0xFFFF  }
0x43: {  	_ =	shalt  }

// kernel: kernel.9.cloned.1.call-start
scs
__scs_entry_jumppad:
0x0: {  	(pc) =	sbr.rel $0x88, $3  }
0x1: {  	(tag) =	ssettag $0x0;
	lr =	simm.s32 $0x1  }
0x2: {  	[smem:$0x3F9C] =	sst lr;
	_ =	strace $0xD0000000  }
0x3: {  	_ = 	snop  }
0x4: {  	_ = 	snop  }
0x5: {  	_ = 	snop  }
0x6: {  	_ = 	snop  }
0x7: {  	_ = 	snop  }
__scs_overlays_trampoline_lowered:
0x8: {  	[smem:$0x3FAB] =	sst s0  }
0x9: {  	[smem:$0x3FAC] =	sst s1  }
0xa: {  	[smem:$0x3FAD] =	sst s2  }
0xb: {  	[smem:$0x3FAE] =	sst s3  }
0xc: {  	[smem:$0x3FAF] =	sst s4  }
0xd: {  	[smem:$0x3FB0] =	sst s5  }
0xe: {  	[smem:$0x3FB1] =	sst s6  }
0xf: {  	[smem:$0x3FB2] =	sst s7  }
0x10: {  	[smem:$0x3FB3] =	sst s8  }
0x11: {  	[smem:$0x3FB4] =	sst s9;
	s0 =	simm.s32 @!p0 $0x0  }
0x12: {  	s1 =	sld [smem:$0x3F9A];
	s0 =	simm.s32 @p0 $0x1  }
0x13: {  	[smem:$0x3FB5] =	sst s0;
	s0 =	simm.s32 @!p1 $0x0  }
0x14: {  	s2 =	sld [smem:$0x3F99];
	s0 =	simm.s32 @p1 $0x1  }
0x15: {  	[smem:$0x3FB6] =	sst s0;
	s0 =	simm.s32 @!p2 $0x0  }
0x16: {  	s3 =	sld [smem:$0x3FDB];
	s0 =	simm.s32 @p2 $0x1  }
0x17: {  	s4 =	simm.s32 $0x1BF5;
	[smem:$0x3FB8] =	sst s0  }
0x18: {  	s0 =	sld [smem:$0x3F9B];
	_ =	swait.ge [sflag:s4], $0x0  }
0x19: {  	s7 =	sld [smem:$0x3F9C]  }
0x1a: {  	s8 =	sadd.s32 $0xFFFFE003, lr  }
0x1b: {  	s9 =	sadd.s32 $0xFFFFFEF7, lr;
	s5 =	simm.s32 $0xFFFFFFFF;
	p2 =	slt.u32 s8, $0xFFFFF086  }
0x1c: {  	p1 =	slt.u32 s9, $0xF7A;
	s5 =	simm.s32 @!p2 $0x0  }
0x1d: {  	s5 =	simm.s32 @p1 $0x1;
	p0 =	seq.s32 s7, s2  }
0x1e: {  	s7 =	smul.u32 @!p0 $0xF7A, s2;
	p2 =	seq.s32 @!p0 s5, $0x0  }
0x1f: {  	s9 =	smul.u32 $0xF7A, s1;
	s8 =	simm.s32 @!p0 $0x1BF5;
	p2 =	por !p2, p0  }
0x20: {  	[sflag:s8] =	ssyncset.s32 @!p0 $0xFFFFF086;
	s6 =	sadd.s32 @!p0 s3, s7;
	s7 =	simm.s32 @!p0 $0x108  }
0x21: {  	s3 =	sadd.s32 s3, s9;
	s6 =	sadd.s32 @!p0 $0x88, s6;
	s7 =	simm.s32 @p2 $0x1082  }
0x22: {  	[simem:s7], [sflag:s8] =	dma.local @!p0 [hbm:s6], $0xF7A  }
0x23: {  	s9 =	sor.u32 $0xD0000000, s2;
	s6 =	simm.s32 $0x108;
	_ =	swait.ge @!p0 [sflag:s8], $0x0  }
0x24: {  	s3 =	sadd.s32 $0x88, s3;
	s6 =	simm.s32 @!p1 $0x1082;
	[sflag:s4] =	ssyncset.s32 $0xFFFFF086  }
0x25: {  	[simem:s6], [sflag:s4] =	dma.local [hbm:s3], $0xF7A  }
0x26: {  	[smem:$0x3F9C] =	sst s1;
	(tag) =	ssettag s2;
	_ =	strace s9  }
0x27: {  	s1 =	sld [smem:$0x3FAC]  }
0x28: {  	s2 =	sld [smem:$0x3FAD]  }
0x29: {  	s4 =	sld [smem:$0x3FAF]  }
0x2a: {  	p0 =	seq.s32 s5, $0x0;
	s5 =	sld [smem:$0x3FB0]  }
0x2b: {  	s6 =	sld [smem:$0x3FB1]  }
0x2c: {  	s7 =	sld [smem:$0x3FB2]  }
0x2d: {  	s3 =	simm.s32 $0x108;
	s8 =	sld [smem:$0x3FB3]  }
0x2e: {  	s3 =	simm.s32 @!p0 $0x1082;
	s9 =	sld [smem:$0x3FB4]  }
0x2f: {  	lr =	sadd.s32 s0, s3;
	s0 =	sld [smem:$0x3FAB]  }
0x30: {  	s3 =	sld [smem:$0x3FAE]  }
0x31: {  	[smem:$0x3FB7] =	sst s10  }
0x32: {  	s10 =	sld [smem:$0x3FB5];
	_ =	sdelay $0x3  }
0x33: {  	p0 =	seq.s32 s10, $0x1;
	s10 =	sld [smem:$0x3FB7];
	_ =	sdelay $0x3  }
0x34: {  	[smem:$0x3FB7] =	sst s10  }
0x35: {  	s10 =	sld [smem:$0x3FB6];
	_ =	sdelay $0x3  }
0x36: {  	p1 =	seq.s32 s10, $0x1;
	s10 =	sld [smem:$0x3FB7];
	_ =	sdelay $0x3  }
0x37: {  	[smem:$0x3FB7] =	sst s10  }
0x38: {  	s10 =	sld [smem:$0x3FB8]  }
0x39: {  	_ = 	snop;
	(pc) =	sbr.ind lr, $3  }
0x3a: {  	_ = 	snop  }
0x3b: {  	_ = 	snop  }
0x3c: {  	p2 =	seq.s32 s10, $0x1;
	s10 =	sld [smem:$0x3FB7]  }
0x3d: {  	_ =	shalt  }
0x3e: {  	_ =	shalt  }
0x3f: {  	_ =	shalt  }
0x40: {  	_ =	shalt  }
0x41: {  	_ =	shalt  }
0x42: {  	_ =	shalt  }
0x43: {  	_ =	shalt  }
0x44: {  	_ =	shalt  }
0x45: {  	_ =	shalt  }
0x46: {  	_ =	shalt  }
0x47: {  	_ =	shalt  }
0x48: {  	_ =	shalt  }
0x49: {  	_ =	shalt  }
0x4a: {  	_ =	shalt  }
0x4b: {  	_ =	shalt  }
0x4c: {  	_ =	shalt  }
0x4d: {  	_ =	shalt  }
0x4e: {  	_ =	shalt  }
0x4f: {  	_ =	shalt  }
0x50: {  	_ =	shalt  }
0x51: {  	_ =	shalt  }
0x52: {  	_ =	shalt  }
0x53: {  	_ =	shalt  }
0x54: {  	_ =	shalt  }
0x55: {  	_ =	shalt  }
0x56: {  	_ =	shalt  }
0x57: {  	_ =	shalt  }
0x58: {  	_ =	shalt  }
0x59: {  	_ =	shalt  }
0x5a: {  	_ =	shalt  }
0x5b: {  	_ =	shalt  }
0x5c: {  	_ =	shalt  }
0x5d: {  	_ =	shalt  }
0x5e: {  	_ =	shalt  }
0x5f: {  	_ =	shalt  }
0x60: {  	_ =	shalt  }
0x61: {  	_ =	shalt  }
0x62: {  	_ =	shalt  }
0x63: {  	_ =	shalt  }
0x64: {  	_ =	shalt  }
0x65: {  	_ =	shalt  }
0x66: {  	_ =	shalt  }
0x67: {  	_ =	shalt  }
0x68: {  	_ =	shalt  }
0x69: {  	_ =	shalt  }
0x6a: {  	_ =	shalt  }
0x6b: {  	_ =	shalt  }
0x6c: {  	_ =	shalt  }
0x6d: {  	_ =	shalt  }
0x6e: {  	_ =	shalt  }
0x6f: {  	_ =	shalt  }
0x70: {  	_ =	shalt  }
0x71: {  	_ =	shalt  }
0x72: {  	_ =	shalt  }
0x73: {  	_ =	shalt  }
0x74: {  	_ =	shalt  }
0x75: {  	_ =	shalt  }
0x76: {  	_ =	shalt  }
0x77: {  	_ =	shalt  }
0x78: {  	_ =	shalt  }
0x79: {  	_ =	shalt  }
0x7a: {  	_ =	shalt  }
0x7b: {  	_ =	shalt  }
0x7c: {  	_ =	shalt  }
0x7d: {  	_ =	shalt  }
0x7e: {  	_ =	shalt  }
0x7f: {  	_ =	shalt  }
0x80: {  	_ =	shalt  }
0x81: {  	_ =	shalt  }
0x82: {  	_ =	shalt  }
0x83: {  	_ =	shalt  }
0x84: {  	_ =	shalt  }
0x85: {  	_ =	shalt  }
0x86: {  	_ =	shalt  }
0x87: {  	_ =	shalt  }
.Lfunc_end0:
.L_simem_size_0:
called_computation.1_lowered:
.L_overlay_start_0:
0x88: {  	s2 =	sld [smem:$0x3FD9]  }
0x89: {  	s3 =	sld [smem:$0x3FFE];
	_ =	sdelay $0x1  }
0x8a: {  	s1 =	srdreg.scid  }
0x8b: {  	s0 =	sand.u32 $0x1, s1  }
0x8c: {  	s17 =	sshll.u32 s0, $0xA;
	s2 =	sadd.s32 s3, s2  }
0x8d: {  	s2 =	sadd.s32 s2, s17  }
0x8e: {  	[smem:$0x3FC3] =	sst s2  }
0x8f: {  	_ = 	snop  }
0x90: {  	s2 =	sld [smem:$0x3FD0];
	(tm) =	ssettm $0x1  }
0x91: {  	s18 =	sld [smem:$0x3FFB];
	_ =	sdelay $0x3  }
0x92: {  	_ =	strace s18  }
0x93: {  	s3 =	sld [smem:$0x3FFC];
	_ =	sdelay $0x3  }
0x94: {  	_ =	strace s3  }
0x95: {  	s3 =	sld [smem:$0x3FFD];
	_ =	sdelay $0x3  }
0x96: {  	_ =	strace s3  }
0x97: {  	_ =	strace $0x8FFFFFFF  }
0x98: {  	s19 =	sld [smem:$0x3FDB];
	_ =	sdelay $0x1  }
0x99: {  	s4 =	simm.s32 $_scs_section_size  }
0x9a: {  	s5 =	simm.s32 $_size__tile_overlayer_lowered;
	s6 =	simm.s32 $_tile_overlayer_lowered  }
0x9b: {  	s22 =	simm.s32 $0x1BFF;
	s21 =	sshll.u32 s6, $0x1;
	s3 =	sadd.s32 s4, s19  }
0x9c: {  	s7 =	simm.s32 $0x0;
	s20 =	sshll.u32 s5, $0x1;
	s5 =	sadd.s32 s21, s3  }
0x9d: {  	[timem:s7], [sflag:s22] =	dma.local [hbm:s5], s20  }
0x9e: {  	_ =	swait.ge [sflag:s22], s20  }
0x9f: {  	s4 =	ssub.s32 $0x0, s20;
	[sflag:s22] =	ssyncset.done $0x0  }
0xa0: {  	[sflag:s22] =	ssyncadd.s32 s4;
	_ =	sdelay $0x1  }
0xa1: {  	s23 =	simm.s32 $0x1B8B  }
0xa2: {  	_ =	swait.ge [sflag:s23], $0x1  }
0xa3: {  	[sflag:s23] =	ssyncset.done $0x0  }
0xa4: {  	s25 =	simm.s32 $0x1B8E;
	s24 =	sld [smem:$0x3FFE];
	[sflag:s23] =	ssyncadd.s32 $0xFFFFFFFF  }
0xa5: {  	s26 =	simm.s32 $execute0_lowered;
	[smem:$0x3FD2] =	sst s25  }
0xa6: {  	s5 =	sshll.u32 s26, $0x1;
	_ =	strace $0x80000049;
	[dreg:$0x1] =	wrdreg $0xFFFFFFFF  }
0xa7: {  	s28 =	simm.s32 $_size_execute0_lowered;
	s3 =	sadd.s32 s3, s5;
	[dreg:$0x0] =	wrdreg $0x0  }
0xa8: {  	s5 =	sshll.u32 s28, $0x1;
	[dreg:$0x2] =	wrdreg s3  }
0xa9: {  	[dreg:$0x3] =	wrdreg s5  }
0xaa: {  	[dreg:$0x4] =	wrdreg $0xC0  }
0xab: {  	_ =	task [dreg:s7], $0x5FFFF  }
0xac: {  	[dreg:$0x1] =	wrdreg $0xFFFFFFFF  }
0xad: {  	[dreg:$0x0] =	wrdreg $0x60  }
0xae: {  	[dreg:$0x2] =	wrdreg s24  }
0xaf: {  	[dreg:$0x3] =	wrdreg s2  }
0xb0: {  	[dreg:$0x4] =	wrdreg $0xB0000  }
0xb1: {  	[dreg:$0x5] =	wrdreg $0x9  }
0xb2: {  	_ =	task.clear_ibuf [dreg:s7], $0x6FFFF;
	_ =	strace $0x90000049  }
0xb3: {  	s29 =	simm.s32 $0x9;
	_ =	strace $0x8000004B  }
0xb4: {  	_ =	swait.ge [sflag:s29], $0x1  }
0xb5: {  	[sflag:s29] =	ssyncadd.s32 $0xFFFFFFFF  }
0xb6: {  	_ =	strace $0x9000004B  }
0xb7: {  	_ =	sfence  }
0xb8: {  	s30 =	sld [smem:$0x0];
	_ =	sdelay $0x2  }
0xb9: {  	s31 =	sshll.u32 s1, $0xD;
	s1 =	sshrl.u32 s1, $0x2  }
0xba: {  	s3 =	sand.u32 $0x4000, s31;
	s1 =	sadd.s32 s1, s30  }
0xbb: {  	s0 =	sor.u32 s3, s0;
	s1 =	sshll.u32 s1, $0x11  }
0xbc: {  	s0 =	sor.u32 s1, s0  }
0xbd: {  	s0 =	sadd.s32 $0x8F2B, s0  }
0xbe: {  	[sflag:s0] =	ssyncadd.remote.s32 $0x1  }
0xbf: {  	_ =	sfence.sel $0xFFFF  }
0xc0: {  	[dreg:$0x0] =	wrdreg $0xFFFFFFFF;
	(pc) =	sbr.abs _section_cstart, $3  }
0xc1: {  	[dreg:$0x1] =	wrdreg $0xFFFFFFFF  }
0xc2: {  	_ =	task.clear_ibuf [dreg:s7], $0x2FFFF;
	_ =	strace $0x9FFFFFFF  }
0xc3: {  	(tm) =	ssettm $0x7FFFFFFF  }
tec
execute0_lowered:
.L_overlay_start_1:
0x0: {  	(tag) =	ssettag $0x1  }
0x1: {  	s0 =	rddreg [dreg:$0x0]  }
0x2: {  	s2 =	rddreg [dreg:$0x2]  }
0x3: {  	s1 =	srdreg.scid;
	s4 =	simm.s32 $0x0;
	s9 =	stileid.u32  }
0x4: {  	s24 =	simm.s32 $0x80;
	s25 =	simm.s32 $0x100;
	s10 =	simm.s32 $0x880  }
0x5: {  	s11 =	simm.s32 $0x280;
	s12 =	simm.s32 $0x900;
	s13 =	simm.s32 $0x300  }
0x6: {  	s14 =	simm.s32 $0x980;
	s15 =	simm.s32 $0x380;
	s16 =	simm.s32 $0xA00  }
0x7: {  	[smem:$0x7FF] =	sst s4;
	s6 =	smul.u32 $0x13C00, s9;
	s19 =	sshll.u32 s9, $0xB  }
0x8: {  	s22 =	smul.u32 $0x4F000, s9;
	_ =	strace $0x8000004A;
	[dreg:$0x6] =	wrdreg s24  }
0x9: {  	s26 =	sshll.u32 s9, $0x6;
	s9 =	simm.s32 $0x200;
	[dreg:$0x7] =	wrdreg s25  }
0xa: {  	s17 =	simm.s32 $0x400;
	s28 =	simm.s32 $0x700;
	[dreg:$0x9] =	wrdreg s9  }
0xb: {  	s29 =	simm.s32 $0xD80;
	s30 =	simm.s32 $0x780;
	[dreg:$0xa] =	wrdreg s10  }
0xc: {  	s31 =	simm.s32 $0xE00;
	s1 =	sand.u32 $0x1, s1;
	[dreg:$0xb] =	wrdreg s11  }
0xd: {  	s5 =	sadd.s32 $0x22400, s0;
	s3 =	smul.u32 $0x13C000, s1;
	[dreg:$0xc] =	wrdreg s12  }
0xe: {  	s7 =	sshll.u32 s1, $0xF;
	s1 =	ssub.s32 $0x2, s1;
	[dreg:$0xd] =	wrdreg s13  }
0xf: {  	s10 =	simm.s32 $0x9;
	s11 =	simm.s32 $0x800;
	[dreg:$0xe] =	wrdreg s14  }
0x10: {  	s12 =	simm.s32 $0x50;
	s13 =	simm.s32 $0x1000;
	[dreg:$0xf] =	wrdreg s15  }
0x11: {  	s14 =	simm.s32 $0x3800;
	[dreg:$0x10] =	wrdreg s16;
	s15 =	simm.s32 $0x6000  }
0x12: {  	[dreg:$0x11] =	wrdreg s17;
	s16 =	simm.s32 $0x8800;
	s17 =	simm.s32 $0x1  }
0x13: {  	s24 =	simm.s32 $0xC00;
	s25 =	simm.s32 $0x600;
	s9 =	simm.s32 $0x0  }
0x14: {  	s18 =	sadd.s32 s7, s0;
	s21 =	sshrl.u32 s1, $0x1;
	s23 =	sshrl.u32 s22, $0x2  }
0x15: {  	s7 =	sor.u32 $0x1C09, s26;
	s22 =	simm.s32 $0xB80;
	[dreg:$0x18] =	wrdreg s24  }
0x16: {  	[dreg:$0x19] =	wrdreg s25;
	s26 =	simm.s32 $0xC80;
	s24 =	simm.s32 $0x8  }
0x17: {  	s25 =	simm.s32 $0x680;
	s3 =	sadd.s32 s6, s3;
	[dreg:$0x16] =	wrdreg s22  }
0x18: {  	s20 =	sadd.s32 s19, s18;
	s1 =	ssub.s32 s1, s21;
	[dreg:$0x1a] =	wrdreg s26  }
0x19: {  	s6 =	sadd.s32 s23, s2;
	s18 =	simm.s32 $0xA80;
	[dreg:$0x1b] =	wrdreg s7  }
0x1a: {  	s19 =	simm.s32 $0x480;
	s21 =	simm.s32 $0x500;
	[dreg:$0x12] =	wrdreg s18  }
0x1b: {  	s23 =	simm.s32 $0x580;
	s22 =	simm.s32 $0x7;
	[dreg:$0x13] =	wrdreg s19  }
0x1c: {  	s26 =	simm.s32 $0xD00;
	s3 =	sshrl.u32 s3, $0x3;
	[dreg:$0x15] =	wrdreg s21  }
0x1d: {  	s8 =	sadd.s32 $0x2400, s20;
	s1 =	smax.u32 s1, $0x1;
	[dreg:$0x17] =	wrdreg s23  }
0x1e: {  	s18 =	simm.s32 $0x5;
	s19 =	simm.s32 $0x2;
	[dreg:$0x4] =	wrdreg s8  }
0x1f: {  	s0 =	sadd.s32 s3, s0;
	s3 =	sadd.s32 $0x12400, s20;
	[dreg:$0x1d] =	wrdreg s1  }
0x20: {  	s21 =	simm.s32 $0x3;
	s8 =	simm.s32 $0x180;
	[dreg:$0x5] =	wrdreg s3  }
0x21: {  	s23 =	simm.s32 $0x4;
	s20 =	simm.s32 $0xB00;
	[dreg:$0x8] =	wrdreg s8  }
0x22: {  	s1 =	simm.s32 $0xF80;
	s0 =	sadd.s32 $0x49C00, s0;
	[dreg:$0x14] =	wrdreg s20  }
0x23: {  	s8 =	sshrl.u32 s6, $0x3;
	s20 =	simm.s32 $0x6;
	[dreg:$0x1c] =	wrdreg s0  }
0x24: {  	s3 =	simm.s32 $0xF00;
	s0 =	simm.s32 $0xE80;
	[dreg:$0x1e] =	wrdreg s8  }
.LBB2_1:
0x25: {  	[dreg:$0x1f] =	wrdreg s9  }
0x26: {  	s6 =	rddreg [dreg:$0x1]  }
0x27: {  	[spmem:s8], [sflag:s7] =	dma.local [hbm:s6], $0x2780  }
0x28: {  	_ =	swait.ge [sflag:s10], $0x2780  }
0x29: {  	[sflag:s10] =	ssyncset.done $0x0  }
0x2a: {  	[sflag:s10] =	ssyncadd.s32 $0xFFFFD880  }
0x2b: {  	[bflag:$0x0] =	sbarrier.arrive $0xFFFF  }
0x2c: {  	s7 =	rddreg [dreg:$0x5]  }
0x2d: {  	s6 =	sadd.s32 $0x0, s7  }
0x2e: {  	[tilespmem:s4], [sflag:$0x9] =	stream.linear.gather [hbm4b:s6+s4], $0x800, $0x38;
	[tilespmem:$0x1EC00] =	vst v63  }
0x2f: {  	_ =	swait.ge [sflag:s10], $0x800  }
0x30: {  	s8 =	rddreg [dreg:$0x4];
	[sflag:s10] =	ssyncset.done $0x0  }
0x31: {  	[sflag:s10] =	ssyncadd.s32 $0xFFFFF800;
	s6 =	sadd.s32 $0x0, s8  }
0x32: {  	[tilespmem:s11], [sflag:$0x9] =	stream.linear.gather [hbm4b:s6+s4], $0x800, $0x38;
	[tilespmem:$0x1EC00] =	vst v63  }
0x33: {  	_ =	swait.ge [sflag:s10], $0x800  }
0x34: {  	[sflag:s10] =	ssyncset.done $0x0  }
0x35: {  	[sflag:s10] =	ssyncadd.s32 $0xFFFFF800  }
0x36: {  	[tilespmem:s13], [sflag:$0x1] =	stream.indirect.gather [hbm4b:s5+s12], $0x80, s4, s12, $0xb8;
	[tilespmem:$0x1EC00] =	vst v63  }
0x37: {  	s9 =	rddreg [dreg:$0x6]  }
0x38: {  	[tilespmem:s14], [sflag:$0x2] =	stream.indirect.gather [hbm4b:s5+s12], $0x80, s9, s12, $0xb8;
	[tilespmem:$0x1EC00] =	vst v63  }
0x39: {  	s7 =	rddreg [dreg:$0x7]  }
0x3a: {  	[tilespmem:s15], [sflag:$0x3] =	stream.indirect.gather [hbm4b:s5+s12], $0x80, s7, s12, $0xb8;
	[tilespmem:$0x1EC00] =	vst v63  }
0x3b: {  	s9 =	rddreg [dreg:$0x8]  }
0x3c: {  	[tilespmem:s16], [sflag:$0x4] =	stream.indirect.gather [hbm4b:s5+s12], $0x80, s9, s12, $0xb8;
	[tilespmem:$0x1EC00] =	vst v63  }
0x3d: {  	_ =	swait.ge [sflag:s17], $0x2800  }
0x3e: {  	[sflag:s17] =	ssyncset.done $0x0  }
0x3f: {  	[sflag:s17] =	ssyncadd.s32 $0xFFFFD800  }
0x40: {  	[spmem:s2] =	stream.indirect.scatter.add.f32 [tilespmem:s13], [sflag:$0x5], $0x80, s11, s12, $0xb8;
	[tilespmem:$0x1EC00] =	vst v63  }
0x41: {  	_ =	swait.ge [sflag:s18], $0x2800  }
0x42: {  	[sflag:s18] =	ssyncset.done $0x0  }
0x43: {  	s7 =	rddreg [dreg:$0x9];
	[sflag:s18] =	ssyncadd.s32 $0xFFFFD800  }
0x44: {  	[tilespmem:s13], [sflag:$0x1] =	stream.indirect.gather [hbm4b:s5+s12], $0x80, s7, s12, $0xb8;
	[tilespmem:$0x1EC00] =	vst v63  }
0x45: {  	_ =	swait.ge [sflag:s19], $0x2800  }
0x46: {  	[sflag:s19] =	ssyncset.done $0x0  }
0x47: {  	s8 =	rddreg [dreg:$0xa];
	[sflag:s19] =	ssyncadd.s32 $0xFFFFD800  }
0x48: {  	[spmem:s2] =	stream.indirect.scatter.add.f32 [tilespmem:s14], [sflag:$0x6], $0x80, s8, s12, $0xb8;
	[tilespmem:$0x1EC00] =	vst v63  }
0x49: {  	_ =	swait.ge [sflag:s20], $0x2800  }
0x4a: {  	[sflag:s20] =	ssyncset.done $0x0  }
0x4b: {  	s9 =	rddreg [dreg:$0xb];
	[sflag:s20] =	ssyncadd.s32 $0xFFFFD800  }
0x4c: {  	[tilespmem:s14], [sflag:$0x2] =	stream.indirect.gather [hbm4b:s5+s12], $0x80, s9, s12, $0xb8;
	[tilespmem:$0x1EC00] =	vst v63  }
0x4d: {  	_ =	swait.ge [sflag:s21], $0x2800  }
0x4e: {  	[sflag:s21] =	ssyncset.done $0x0  }
0x4f: {  	s7 =	rddreg [dreg:$0xc];
	[sflag:s21] =	ssyncadd.s32 $0xFFFFD800  }
0x50: {  	[spmem:s2] =	stream.indirect.scatter.add.f32 [tilespmem:s15], [sflag:$0x7], $0x80, s7, s12, $0xb8;
	[tilespmem:$0x1EC00] =	vst v63  }
0x51: {  	_ =	swait.ge [sflag:s22], $0x2800  }
0x52: {  	[sflag:s22] =	ssyncset.done $0x0  }
0x53: {  	s8 =	rddreg [dreg:$0xd];
	[sflag:s22] =	ssyncadd.s32 $0xFFFFD800  }
0x54: {  	[tilespmem:s15], [sflag:$0x3] =	stream.indirect.gather [hbm4b:s5+s12], $0x80, s8, s12, $0xb8;
	[tilespmem:$0x1EC00] =	vst v63  }
0x55: {  	_ =	swait.ge [sflag:s23], $0x2800  }
0x56: {  	[sflag:s23] =	ssyncset.done $0x0  }
0x57: {  	s9 =	rddreg [dreg:$0xe];
	[sflag:s23] =	ssyncadd.s32 $0xFFFFD800  }
0x58: {  	[spmem:s2] =	stream.indirect.scatter.add.f32 [tilespmem:s16], [sflag:$0x8], $0x80, s9, s12, $0xb8;
	[tilespmem:$0x1EC00] =	vst v63  }
0x59: {  	_ =	swait.ge [sflag:s24], $0x2800  }
0x5a: {  	[sflag:s24] =	ssyncset.done $0x0  }
0x5b: {  	s7 =	rddreg [dreg:$0xf];
	[sflag:s24] =	ssyncadd.s32 $0xFFFFD800  }
0x5c: {  	[tilespmem:s16], [sflag:$0x4] =	stream.indirect.gather [hbm4b:s5+s12], $0x80, s7, s12, $0xb8;
	[tilespmem:$0x1EC00] =	vst v63  }
0x5d: {  	_ =	swait.ge [sflag:s17], $0x2800  }
0x5e: {  	[sflag:s17] =	ssyncset.done $0x0  }
0x5f: {  	s8 =	rddreg [dreg:$0x10];
	[sflag:s17] =	ssyncadd.s32 $0xFFFFD800  }
0x60: {  	[spmem:s2] =	stream.indirect.scatter.add.f32 [tilespmem:s13], [sflag:$0x5], $0x80, s8, s12, $0xb8;
	[tilespmem:$0x1EC00] =	vst v63  }
0x61: {  	_ =	swait.ge [sflag:s18], $0x2800  }
0x62: {  	[sflag:s18] =	ssyncset.done $0x0  }
0x63: {  	s9 =	rddreg [dreg:$0x11];
	[sflag:s18] =	ssyncadd.s32 $0xFFFFD800  }
0x64: {  	[tilespmem:s13], [sflag:$0x1] =	stream.indirect.gather [hbm4b:s5+s12], $0x80, s9, s12, $0xb8;
	[tilespmem:$0x1EC00] =	vst v63  }
0x65: {  	_ =	swait.ge [sflag:s19], $0x2800  }
0x66: {  	[sflag:s19] =	ssyncset.done $0x0  }
0x67: {  	s7 =	rddreg [dreg:$0x12];
	[sflag:s19] =	ssyncadd.s32 $0xFFFFD800  }
0x68: {  	[spmem:s2] =	stream.indirect.scatter.add.f32 [tilespmem:s14], [sflag:$0x6], $0x80, s7, s12, $0xb8;
	[tilespmem:$0x1EC00] =	vst v63  }
0x69: {  	_ =	swait.ge [sflag:s20], $0x2800  }
0x6a: {  	[sflag:s20] =	ssyncset.done $0x0  }
0x6b: {  	s8 =	rddreg [dreg:$0x13];
	[sflag:s20] =	ssyncadd.s32 $0xFFFFD800  }
0x6c: {  	[tilespmem:s14], [sflag:$0x2] =	stream.indirect.gather [hbm4b:s5+s12], $0x80, s8, s12, $0xb8;
	[tilespmem:$0x1EC00] =	vst v63  }
0x6d: {  	_ =	swait.ge [sflag:s21], $0x2800  }
0x6e: {  	[sflag:s21] =	ssyncset.done $0x0  }
0x6f: {  	s9 =	rddreg [dreg:$0x14];
	[sflag:s21] =	ssyncadd.s32 $0xFFFFD800  }
0x70: {  	[spmem:s2] =	stream.indirect.scatter.add.f32 [tilespmem:s15], [sflag:$0x7], $0x80, s9, s12, $0xb8;
	[tilespmem:$0x1EC00] =	vst v63  }
0x71: {  	_ =	swait.ge [sflag:s22], $0x2800  }
0x72: {  	[sflag:s22] =	ssyncset.done $0x0  }
0x73: {  	s7 =	rddreg [dreg:$0x15];
	[sflag:s22] =	ssyncadd.s32 $0xFFFFD800  }
0x74: {  	[tilespmem:s15], [sflag:$0x3] =	stream.indirect.gather [hbm4b:s5+s12], $0x80, s7, s12, $0xb8;
	[tilespmem:$0x1EC00] =	vst v63  }
0x75: {  	_ =	swait.ge [sflag:s23], $0x2800  }
0x76: {  	[sflag:s23] =	ssyncset.done $0x0  }
0x77: {  	s8 =	rddreg [dreg:$0x16];
	[sflag:s23] =	ssyncadd.s32 $0xFFFFD800  }
0x78: {  	[spmem:s2] =	stream.indirect.scatter.add.f32 [tilespmem:s16], [sflag:$0x8], $0x80, s8, s12, $0xb8;
	[tilespmem:$0x1EC00] =	vst v63  }
0x79: {  	_ =	swait.ge [sflag:s24], $0x2800  }
0x7a: {  	[sflag:s24] =	ssyncset.done $0x0  }
0x7b: {  	s9 =	rddreg [dreg:$0x17];
	[sflag:s24] =	ssyncadd.s32 $0xFFFFD800  }
0x7c: {  	[tilespmem:s16], [sflag:$0x4] =	stream.indirect.gather [hbm4b:s5+s12], $0x80, s9, s12, $0xb8;
	[tilespmem:$0x1EC00] =	vst v63  }
0x7d: {  	_ =	swait.ge [sflag:s17], $0x2800  }
0x7e: {  	[sflag:s17] =	ssyncset.done $0x0  }
0x7f: {  	s7 =	rddreg [dreg:$0x18];
	[sflag:s17] =	ssyncadd.s32 $0xFFFFD800  }
0x80: {  	[spmem:s2] =	stream.indirect.scatter.add.f32 [tilespmem:s13], [sflag:$0x5], $0x80, s7, s12, $0xb8;
	[tilespmem:$0x1EC00] =	vst v63  }
0x81: {  	_ =	swait.ge [sflag:s18], $0x2800  }
0x82: {  	[sflag:s18] =	ssyncset.done $0x0  }
0x83: {  	s8 =	rddreg [dreg:$0x19];
	[sflag:s18] =	ssyncadd.s32 $0xFFFFD800  }
0x84: {  	[tilespmem:s13], [sflag:$0x1] =	stream.indirect.gather [hbm4b:s5+s12], $0x80, s8, s12, $0xb8;
	[tilespmem:$0x1EC00] =	vst v63  }
0x85: {  	_ =	swait.ge [sflag:s19], $0x2800  }
0x86: {  	[sflag:s19] =	ssyncset.done $0x0  }
0x87: {  	s9 =	rddreg [dreg:$0x1a];
	[sflag:s19] =	ssyncadd.s32 $0xFFFFD800  }
0x88: {  	[spmem:s2] =	stream.indirect.scatter.add.f32 [tilespmem:s14], [sflag:$0x6], $0x80, s9, s12, $0xb8;
	[tilespmem:$0x1EC00] =	vst v63  }
0x89: {  	_ =	swait.ge [sflag:s20], $0x2800  }
0x8a: {  	[sflag:s20] =	ssyncset.done $0x0  }
0x8b: {  	[sflag:s20] =	ssyncadd.s32 $0xFFFFD800  }
0x8c: {  	[tilespmem:s14], [sflag:$0x2] =	stream.indirect.gather [hbm4b:s5+s12], $0x80, s25, s12, $0xb8;
	[tilespmem:$0x1EC00] =	vst v63  }
0x8d: {  	_ =	swait.ge [sflag:s21], $0x2800  }
0x8e: {  	[sflag:s21] =	ssyncset.done $0x0  }
0x8f: {  	[sflag:s21] =	ssyncadd.s32 $0xFFFFD800  }
0x90: {  	[spmem:s2] =	stream.indirect.scatter.add.f32 [tilespmem:s15], [sflag:$0x7], $0x80, s26, s12, $0xb8;
	[tilespmem:$0x1EC00] =	vst v63  }
0x91: {  	_ =	swait.ge [sflag:s22], $0x2800  }
0x92: {  	[sflag:s22] =	ssyncset.done $0x0  }
0x93: {  	[sflag:s22] =	ssyncadd.s32 $0xFFFFD800  }
0x94: {  	[tilespmem:s15], [sflag:$0x3] =	stream.indirect.gather [hbm4b:s5+s12], $0x80, s28, s12, $0xb8;
	[tilespmem:$0x1EC00] =	vst v63  }
0x95: {  	_ =	swait.ge [sflag:s23], $0x2800  }
0x96: {  	[sflag:s23] =	ssyncset.done $0x0  }
0x97: {  	[sflag:s23] =	ssyncadd.s32 $0xFFFFD800  }
0x98: {  	[spmem:s2] =	stream.indirect.scatter.add.f32 [tilespmem:s16], [sflag:$0x8], $0x80, s29, s12, $0xb8;
	[tilespmem:$0x1EC00] =	vst v63  }
0x99: {  	_ =	swait.ge [sflag:s24], $0x2800  }
0x9a: {  	[sflag:s24] =	ssyncset.done $0x0  }
0x9b: {  	[sflag:s24] =	ssyncadd.s32 $0xFFFFD800  }
0x9c: {  	[tilespmem:s16], [sflag:$0x4] =	stream.indirect.gather [hbm4b:s5+s12], $0x80, s30, s12, $0xb8;
	[tilespmem:$0x1EC00] =	vst v63  }
0x9d: {  	_ =	swait.ge [sflag:s17], $0x2800  }
0x9e: {  	[sflag:s17] =	ssyncset.done $0x0  }
0x9f: {  	[sflag:s17] =	ssyncadd.s32 $0xFFFFD800  }
0xa0: {  	[spmem:s2] =	stream.indirect.scatter.add.f32 [tilespmem:s13], [sflag:$0x5], $0x80, s31, s12, $0xb8;
	[tilespmem:$0x1EC00] =	vst v63  }
0xa1: {  	_ =	swait.ge [sflag:s18], $0x2800  }
0xa2: {  	[sflag:s18] =	ssyncset.done $0x0  }
0xa3: {  	[sflag:s18] =	ssyncadd.s32 $0xFFFFD800  }
0xa4: {  	_ =	swait.ge [sflag:s19], $0x2800  }
0xa5: {  	[sflag:s19] =	ssyncset.done $0x0  }
0xa6: {  	[sflag:s19] =	ssyncadd.s32 $0xFFFFD800  }
0xa7: {  	[spmem:s2] =	stream.indirect.scatter.add.f32 [tilespmem:s14], [sflag:$0x6], $0x80, s0, s12, $0xb8;
	[tilespmem:$0x1EC00] =	vst v63  }
0xa8: {  	_ =	swait.ge [sflag:s20], $0x2800  }
0xa9: {  	[sflag:s20] =	ssyncset.done $0x0  }
0xaa: {  	[sflag:s20] =	ssyncadd.s32 $0xFFFFD800  }
0xab: {  	_ =	swait.ge [sflag:s21], $0x2800  }
0xac: {  	[sflag:s21] =	ssyncset.done $0x0  }
0xad: {  	[sflag:s21] =	ssyncadd.s32 $0xFFFFD800  }
0xae: {  	[spmem:s2] =	stream.indirect.scatter.add.f32 [tilespmem:s15], [sflag:$0x7], $0x80, s3, s12, $0xb8;
	[tilespmem:$0x1EC00] =	vst v63  }
0xaf: {  	_ =	swait.ge [sflag:s22], $0x2800  }
0xb0: {  	[sflag:s22] =	ssyncset.done $0x0  }
0xb1: {  	[sflag:s22] =	ssyncadd.s32 $0xFFFFD800  }
0xb2: {  	_ =	swait.ge [sflag:s23], $0x2800  }
0xb3: {  	[sflag:s23] =	ssyncset.done $0x0  }
0xb4: {  	[sflag:s23] =	ssyncadd.s32 $0xFFFFD800  }
0xb5: {  	[spmem:s2] =	stream.indirect.scatter.add.f32 [tilespmem:s16], [sflag:$0x8], $0x80, s1, s12, $0xb8;
	[tilespmem:$0x1EC00] =	vst v63  }
0xb6: {  	s6 =	simm.s32 $0x200;
	_ =	swait.ge [sflag:s24], $0x2800  }
0xb7: {  	s8 =	simm.s32 $0x100;
	s9 =	rddreg [dreg:$0x5];
	[sflag:s24] =	ssyncset.done $0x0  }
.LBB2_2:
0xb8: {  	[sflag:s24] =	ssyncadd.s32 $0xFFFFD800;
	s9 =	sadd.s32 s8, s9  }
0xb9: {  	[tilespmem:s4], [sflag:$0x9] =	stream.linear.gather [hbm4b:s9+s4], $0x800, $0x38;
	[tilespmem:$0x1EC00] =	vst v63  }
0xba: {  	_ =	swait.ge [sflag:s10], $0x800  }
0xbb: {  	s9 =	rddreg [dreg:$0x4];
	[sflag:s10] =	ssyncset.done $0x0  }
0xbc: {  	[sflag:s10] =	ssyncadd.s32 $0xFFFFF800;
	s9 =	sadd.s32 s8, s9  }
0xbd: {  	[tilespmem:s11], [sflag:$0x9] =	stream.linear.gather [hbm4b:s9+s4], $0x800, $0x38;
	[tilespmem:$0x1EC00] =	vst v63  }
0xbe: {  	_ =	swait.ge [sflag:s10], $0x800  }
0xbf: {  	[sflag:s10] =	ssyncset.done $0x0  }
0xc0: {  	s7 =	smov.u32 s6;
	[sflag:s10] =	ssyncadd.s32 $0xFFFFF800  }
0xc1: {  	[tilespmem:s13], [sflag:$0x1] =	stream.indirect.gather [hbm4b:s5+s12], $0x80, s4, s12, $0xb8;
	[tilespmem:$0x1EC00] =	vst v63  }
0xc2: {  	s8 =	smov.u32 s7;
	s7 =	rddreg [dreg:$0x6]  }
0xc3: {  	[tilespmem:s14], [sflag:$0x2] =	stream.indirect.gather [hbm4b:s5+s12], $0x80, s7, s12, $0xb8;
	[tilespmem:$0x1EC00] =	vst v63  }
0xc4: {  	s9 =	rddreg [dreg:$0x7]  }
0xc5: {  	[tilespmem:s15], [sflag:$0x3] =	stream.indirect.gather [hbm4b:s5+s12], $0x80, s9, s12, $0xb8;
	[tilespmem:$0x1EC00] =	vst v63  }
0xc6: {  	s7 =	rddreg [dreg:$0x8]  }
0xc7: {  	[tilespmem:s16], [sflag:$0x4] =	stream.indirect.gather [hbm4b:s5+s12], $0x80, s7, s12, $0xb8;
	[tilespmem:$0x1EC00] =	vst v63  }
0xc8: {  	_ =	swait.ge [sflag:s17], $0x2800  }
0xc9: {  	[sflag:s17] =	ssyncset.done $0x0  }
0xca: {  	[sflag:s17] =	ssyncadd.s32 $0xFFFFD800  }
0xcb: {  	[spmem:s2] =	stream.indirect.scatter.add.f32 [tilespmem:s13], [sflag:$0x5], $0x80, s11, s12, $0xb8;
	[tilespmem:$0x1EC00] =	vst v63  }
0xcc: {  	_ =	swait.ge [sflag:s18], $0x2800  }
0xcd: {  	[sflag:s18] =	ssyncset.done $0x0  }
0xce: {  	s9 =	rddreg [dreg:$0x9];
	[sflag:s18] =	ssyncadd.s32 $0xFFFFD800  }
0xcf: {  	[tilespmem:s13], [sflag:$0x1] =	stream.indirect.gather [hbm4b:s5+s12], $0x80, s9, s12, $0xb8;
	[tilespmem:$0x1EC00] =	vst v63  }
0xd0: {  	_ =	swait.ge [sflag:s19], $0x2800  }
0xd1: {  	[sflag:s19] =	ssyncset.done $0x0  }
0xd2: {  	s9 =	rddreg [dreg:$0xa];
	[sflag:s19] =	ssyncadd.s32 $0xFFFFD800  }
0xd3: {  	[spmem:s2] =	stream.indirect.scatter.add.f32 [tilespmem:s14], [sflag:$0x6], $0x80, s9, s12, $0xb8;
	[tilespmem:$0x1EC00] =	vst v63  }
0xd4: {  	_ =	swait.ge [sflag:s20], $0x2800  }
0xd5: {  	[sflag:s20] =	ssyncset.done $0x0  }
0xd6: {  	s9 =	rddreg [dreg:$0xb];
	[sflag:s20] =	ssyncadd.s32 $0xFFFFD800  }
0xd7: {  	[tilespmem:s14], [sflag:$0x2] =	stream.indirect.gather [hbm4b:s5+s12], $0x80, s9, s12, $0xb8;
	[tilespmem:$0x1EC00] =	vst v63  }
0xd8: {  	_ =	swait.ge [sflag:s21], $0x2800  }
0xd9: {  	[sflag:s21] =	ssyncset.done $0x0  }
0xda: {  	s9 =	rddreg [dreg:$0xc];
	[sflag:s21] =	ssyncadd.s32 $0xFFFFD800  }
0xdb: {  	[spmem:s2] =	stream.indirect.scatter.add.f32 [tilespmem:s15], [sflag:$0x7], $0x80, s9, s12, $0xb8;
	[tilespmem:$0x1EC00] =	vst v63  }
0xdc: {  	_ =	swait.ge [sflag:s22], $0x2800  }
0xdd: {  	[sflag:s22] =	ssyncset.done $0x0  }
0xde: {  	s9 =	rddreg [dreg:$0xd];
	[sflag:s22] =	ssyncadd.s32 $0xFFFFD800  }
0xdf: {  	[tilespmem:s15], [sflag:$0x3] =	stream.indirect.gather [hbm4b:s5+s12], $0x80, s9, s12, $0xb8;
	[tilespmem:$0x1EC00] =	vst v63  }
0xe0: {  	_ =	swait.ge [sflag:s23], $0x2800  }
0xe1: {  	[sflag:s23] =	ssyncset.done $0x0  }
0xe2: {  	s9 =	rddreg [dreg:$0xe];
	[sflag:s23] =	ssyncadd.s32 $0xFFFFD800  }
0xe3: {  	[spmem:s2] =	stream.indirect.scatter.add.f32 [tilespmem:s16], [sflag:$0x8], $0x80, s9, s12, $0xb8;
	[tilespmem:$0x1EC00] =	vst v63  }
0xe4: {  	_ =	swait.ge [sflag:s24], $0x2800  }
0xe5: {  	[sflag:s24] =	ssyncset.done $0x0  }
0xe6: {  	s9 =	rddreg [dreg:$0xf];
	[sflag:s24] =	ssyncadd.s32 $0xFFFFD800  }
0xe7: {  	[tilespmem:s16], [sflag:$0x4] =	stream.indirect.gather [hbm4b:s5+s12], $0x80, s9, s12, $0xb8;
	[tilespmem:$0x1EC00] =	vst v63  }
0xe8: {  	_ =	swait.ge [sflag:s17], $0x2800  }
0xe9: {  	[sflag:s17] =	ssyncset.done $0x0  }
0xea: {  	s9 =	rddreg [dreg:$0x10];
	[sflag:s17] =	ssyncadd.s32 $0xFFFFD800  }
0xeb: {  	[spmem:s2] =	stream.indirect.scatter.add.f32 [tilespmem:s13], [sflag:$0x5], $0x80, s9, s12, $0xb8;
	[tilespmem:$0x1EC00] =	vst v63  }
0xec: {  	_ =	swait.ge [sflag:s18], $0x2800  }
0xed: {  	[sflag:s18] =	ssyncset.done $0x0  }
0xee: {  	s9 =	rddreg [dreg:$0x11];
	[sflag:s18] =	ssyncadd.s32 $0xFFFFD800  }
0xef: {  	[tilespmem:s13], [sflag:$0x1] =	stream.indirect.gather [hbm4b:s5+s12], $0x80, s9, s12, $0xb8;
	[tilespmem:$0x1EC00] =	vst v63  }
0xf0: {  	_ =	swait.ge [sflag:s19], $0x2800  }
0xf1: {  	[sflag:s19] =	ssyncset.done $0x0  }
0xf2: {  	s9 =	rddreg [dreg:$0x12];
	[sflag:s19] =	ssyncadd.s32 $0xFFFFD800  }
0xf3: {  	[spmem:s2] =	stream.indirect.scatter.add.f32 [tilespmem:s14], [sflag:$0x6], $0x80, s9, s12, $0xb8;
	[tilespmem:$0x1EC00] =	vst v63  }
0xf4: {  	_ =	swait.ge [sflag:s20], $0x2800  }
0xf5: {  	[sflag:s20] =	ssyncset.done $0x0  }
0xf6: {  	s9 =	rddreg [dreg:$0x13];
	[sflag:s20] =	ssyncadd.s32 $0xFFFFD800  }
0xf7: {  	[tilespmem:s14], [sflag:$0x2] =	stream.indirect.gather [hbm4b:s5+s12], $0x80, s9, s12, $0xb8;
	[tilespmem:$0x1EC00] =	vst v63  }
0xf8: {  	_ =	swait.ge [sflag:s21], $0x2800  }
0xf9: {  	[sflag:s21] =	ssyncset.done $0x0  }
0xfa: {  	s9 =	rddreg [dreg:$0x14];
	[sflag:s21] =	ssyncadd.s32 $0xFFFFD800  }
0xfb: {  	[spmem:s2] =	stream.indirect.scatter.add.f32 [tilespmem:s15], [sflag:$0x7], $0x80, s9, s12, $0xb8;
	[tilespmem:$0x1EC00] =	vst v63  }
0xfc: {  	_ =	swait.ge [sflag:s22], $0x2800  }
0xfd: {  	[sflag:s22] =	ssyncset.done $0x0  }
0xfe: {  	s9 =	rddreg [dreg:$0x15];
	[sflag:s22] =	ssyncadd.s32 $0xFFFFD800  }
0xff: {  	[tilespmem:s15], [sflag:$0x3] =	stream.indirect.gather [hbm4b:s5+s12], $0x80, s9, s12, $0xb8;
	[tilespmem:$0x1EC00] =	vst v63  }
0x100: {  	_ =	swait.ge [sflag:s23], $0x2800  }
0x101: {  	[sflag:s23] =	ssyncset.done $0x0  }
0x102: {  	s9 =	rddreg [dreg:$0x16];
	[sflag:s23] =	ssyncadd.s32 $0xFFFFD800  }
0x103: {  	[spmem:s2] =	stream.indirect.scatter.add.f32 [tilespmem:s16], [sflag:$0x8], $0x80, s9, s12, $0xb8;
	[tilespmem:$0x1EC00] =	vst v63  }
0x104: {  	_ =	swait.ge [sflag:s24], $0x2800  }
0x105: {  	[sflag:s24] =	ssyncset.done $0x0  }
0x106: {  	s9 =	rddreg [dreg:$0x17];
	[sflag:s24] =	ssyncadd.s32 $0xFFFFD800  }
0x107: {  	[tilespmem:s16], [sflag:$0x4] =	stream.indirect.gather [hbm4b:s5+s12], $0x80, s9, s12, $0xb8;
	[tilespmem:$0x1EC00] =	vst v63  }
0x108: {  	_ =	swait.ge [sflag:s17], $0x2800  }
0x109: {  	[sflag:s17] =	ssyncset.done $0x0  }
0x10a: {  	s9 =	rddreg [dreg:$0x18];
	[sflag:s17] =	ssyncadd.s32 $0xFFFFD800  }
0x10b: {  	[spmem:s2] =	stream.indirect.scatter.add.f32 [tilespmem:s13], [sflag:$0x5], $0x80, s9, s12, $0xb8;
	[tilespmem:$0x1EC00] =	vst v63  }
0x10c: {  	_ =	swait.ge [sflag:s18], $0x2800  }
0x10d: {  	[sflag:s18] =	ssyncset.done $0x0  }
0x10e: {  	s9 =	rddreg [dreg:$0x19];
	[sflag:s18] =	ssyncadd.s32 $0xFFFFD800  }
0x10f: {  	[tilespmem:s13], [sflag:$0x1] =	stream.indirect.gather [hbm4b:s5+s12], $0x80, s9, s12, $0xb8;
	[tilespmem:$0x1EC00] =	vst v63  }
0x110: {  	_ =	swait.ge [sflag:s19], $0x2800  }
0x111: {  	[sflag:s19] =	ssyncset.done $0x0  }
0x112: {  	s9 =	rddreg [dreg:$0x1a];
	[sflag:s19] =	ssyncadd.s32 $0xFFFFD800  }
0x113: {  	[spmem:s2] =	stream.indirect.scatter.add.f32 [tilespmem:s14], [sflag:$0x6], $0x80, s9, s12, $0xb8;
	[tilespmem:$0x1EC00] =	vst v63  }
0x114: {  	_ =	swait.ge [sflag:s20], $0x2800  }
0x115: {  	[sflag:s20] =	ssyncset.done $0x0  }
0x116: {  	[sflag:s20] =	ssyncadd.s32 $0xFFFFD800  }
0x117: {  	[tilespmem:s14], [sflag:$0x2] =	stream.indirect.gather [hbm4b:s5+s12], $0x80, s25, s12, $0xb8;
	[tilespmem:$0x1EC00] =	vst v63  }
0x118: {  	_ =	swait.ge [sflag:s21], $0x2800  }
0x119: {  	[sflag:s21] =	ssyncset.done $0x0  }
0x11a: {  	[sflag:s21] =	ssyncadd.s32 $0xFFFFD800  }
0x11b: {  	[spmem:s2] =	stream.indirect.scatter.add.f32 [tilespmem:s15], [sflag:$0x7], $0x80, s26, s12, $0xb8;
	[tilespmem:$0x1EC00] =	vst v63  }
0x11c: {  	_ =	swait.ge [sflag:s22], $0x2800  }
0x11d: {  	[sflag:s22] =	ssyncset.done $0x0  }
0x11e: {  	[sflag:s22] =	ssyncadd.s32 $0xFFFFD800  }
0x11f: {  	[tilespmem:s15], [sflag:$0x3] =	stream.indirect.gather [hbm4b:s5+s12], $0x80, s28, s12, $0xb8;
	[tilespmem:$0x1EC00] =	vst v63  }
0x120: {  	_ =	swait.ge [sflag:s23], $0x2800  }
0x121: {  	[sflag:s23] =	ssyncset.done $0x0  }
0x122: {  	[sflag:s23] =	ssyncadd.s32 $0xFFFFD800  }
0x123: {  	[spmem:s2] =	stream.indirect.scatter.add.f32 [tilespmem:s16], [sflag:$0x8], $0x80, s29, s12, $0xb8;
	[tilespmem:$0x1EC00] =	vst v63  }
0x124: {  	_ =	swait.ge [sflag:s24], $0x2800  }
0x125: {  	[sflag:s24] =	ssyncset.done $0x0  }
0x126: {  	[sflag:s24] =	ssyncadd.s32 $0xFFFFD800  }
0x127: {  	[tilespmem:s16], [sflag:$0x4] =	stream.indirect.gather [hbm4b:s5+s12], $0x80, s30, s12, $0xb8;
	[tilespmem:$0x1EC00] =	vst v63  }
0x128: {  	_ =	swait.ge [sflag:s17], $0x2800  }
0x129: {  	[sflag:s17] =	ssyncset.done $0x0  }
0x12a: {  	[sflag:s17] =	ssyncadd.s32 $0xFFFFD800  }
0x12b: {  	[spmem:s2] =	stream.indirect.scatter.add.f32 [tilespmem:s13], [sflag:$0x5], $0x80, s31, s12, $0xb8;
	[tilespmem:$0x1EC00] =	vst v63  }
0x12c: {  	_ =	swait.ge [sflag:s18], $0x2800  }
0x12d: {  	[sflag:s18] =	ssyncset.done $0x0  }
0x12e: {  	[sflag:s18] =	ssyncadd.s32 $0xFFFFD800  }
0x12f: {  	_ =	swait.ge [sflag:s19], $0x2800  }
0x130: {  	[sflag:s19] =	ssyncset.done $0x0  }
0x131: {  	[sflag:s19] =	ssyncadd.s32 $0xFFFFD800  }
0x132: {  	[spmem:s2] =	stream.indirect.scatter.add.f32 [tilespmem:s14], [sflag:$0x6], $0x80, s0, s12, $0xb8;
	[tilespmem:$0x1EC00] =	vst v63  }
0x133: {  	_ =	swait.ge [sflag:s20], $0x2800  }
0x134: {  	[sflag:s20] =	ssyncset.done $0x0  }
0x135: {  	[sflag:s20] =	ssyncadd.s32 $0xFFFFD800  }
0x136: {  	_ =	swait.ge [sflag:s21], $0x2800  }
0x137: {  	[sflag:s21] =	ssyncset.done $0x0  }
0x138: {  	[sflag:s21] =	ssyncadd.s32 $0xFFFFD800  }
0x139: {  	[spmem:s2] =	stream.indirect.scatter.add.f32 [tilespmem:s15], [sflag:$0x7], $0x80, s3, s12, $0xb8;
	[tilespmem:$0x1EC00] =	vst v63  }
0x13a: {  	_ =	swait.ge [sflag:s22], $0x2800  }
0x13b: {  	[sflag:s22] =	ssyncset.done $0x0  }
0x13c: {  	[sflag:s22] =	ssyncadd.s32 $0xFFFFD800  }
0x13d: {  	p0 =	sne.s32 s6, $0x700;
	_ =	swait.ge [sflag:s23], $0x2800  }
.Ltmp0:
0x13e: {  	[sflag:s23] =	ssyncset.done $0x0;
	(pc) =	sbr.rel @p0 .LBB2_2-.Ltmp0, $4  }
0x13f: {  	[sflag:s23] =	ssyncadd.s32 $0xFFFFD800  }
0x140: {  	[spmem:s2] =	stream.indirect.scatter.add.f32 [tilespmem:s16], [sflag:$0x8], $0x80, s1, s12, $0xb8;
	[tilespmem:$0x1EC00] =	vst v63  }
0x141: {  	_ =	swait.ge [sflag:s24], $0x2800  }
0x142: {  	s6 =	sadd.s32 $0x100, s6;
	s9 =	rddreg [dreg:$0x5];
	[sflag:s24] =	ssyncset.done $0x0  }
0x143: {  	[sflag:s24] =	ssyncadd.s32 $0xFFFFD800;
	s6 =	sadd.s32 s8, s9  }
0x144: {  	[tilespmem:s4], [sflag:$0x9] =	stream.linear.gather [hbm4b:s6+s4], $0x800, $0x38;
	[tilespmem:$0x1EC00] =	vst v63  }
0x145: {  	_ =	swait.ge [sflag:s10], $0x800  }
0x146: {  	s7 =	rddreg [dreg:$0x4];
	[sflag:s10] =	ssyncset.done $0x0  }
0x147: {  	[sflag:s10] =	ssyncadd.s32 $0xFFFFF800;
	s6 =	sadd.s32 s8, s7  }
0x148: {  	[tilespmem:s11], [sflag:$0x9] =	stream.linear.gather [hbm4b:s6+s4], $0x800, $0x38;
	[tilespmem:$0x1EC00] =	vst v63  }
0x149: {  	_ =	swait.ge [sflag:s10], $0x800  }
0x14a: {  	[sflag:s10] =	ssyncset.done $0x0  }
0x14b: {  	[sflag:s10] =	ssyncadd.s32 $0xFFFFF800  }
0x14c: {  	[tilespmem:s13], [sflag:$0x1] =	stream.indirect.gather [hbm4b:s5+s12], $0x80, s4, s12, $0xb8;
	[tilespmem:$0x1EC00] =	vst v63  }
0x14d: {  	s9 =	rddreg [dreg:$0x6]  }
0x14e: {  	[tilespmem:s14], [sflag:$0x2] =	stream.indirect.gather [hbm4b:s5+s12], $0x80, s9, s12, $0xb8;
	[tilespmem:$0x1EC00] =	vst v63  }
0x14f: {  	s7 =	rddreg [dreg:$0x7]  }
0x150: {  	[tilespmem:s15], [sflag:$0x3] =	stream.indirect.gather [hbm4b:s5+s12], $0x80, s7, s12, $0xb8;
	[tilespmem:$0x1EC00] =	vst v63  }
0x151: {  	s8 =	rddreg [dreg:$0x8]  }
0x152: {  	[tilespmem:s16], [sflag:$0x4] =	stream.indirect.gather [hbm4b:s5+s12], $0x80, s8, s12, $0xb8;
	[tilespmem:$0x1EC00] =	vst v63  }
0x153: {  	_ =	swait.ge [sflag:s17], $0x2800  }
0x154: {  	[sflag:s17] =	ssyncset.done $0x0  }
0x155: {  	[sflag:s17] =	ssyncadd.s32 $0xFFFFD800  }
0x156: {  	[spmem:s2] =	stream.indirect.scatter.add.f32 [tilespmem:s13], [sflag:$0x5], $0x80, s11, s12, $0xb8;
	[tilespmem:$0x1EC00] =	vst v63  }
0x157: {  	_ =	swait.ge [sflag:s18], $0x2800  }
0x158: {  	[sflag:s18] =	ssyncset.done $0x0  }
0x159: {  	s9 =	rddreg [dreg:$0x9];
	[sflag:s18] =	ssyncadd.s32 $0xFFFFD800  }
0x15a: {  	[tilespmem:s13], [sflag:$0x1] =	stream.indirect.gather [hbm4b:s5+s12], $0x80, s9, s12, $0xb8;
	[tilespmem:$0x1EC00] =	vst v63  }
0x15b: {  	_ =	swait.ge [sflag:s19], $0x2800  }
0x15c: {  	[sflag:s19] =	ssyncset.done $0x0  }
0x15d: {  	s7 =	rddreg [dreg:$0xa];
	[sflag:s19] =	ssyncadd.s32 $0xFFFFD800  }
0x15e: {  	[spmem:s2] =	stream.indirect.scatter.add.f32 [tilespmem:s14], [sflag:$0x6], $0x80, s7, s12, $0xb8;
	[tilespmem:$0x1EC00] =	vst v63  }
0x15f: {  	_ =	swait.ge [sflag:s20], $0x2800  }
0x160: {  	[sflag:s20] =	ssyncset.done $0x0  }
0x161: {  	s8 =	rddreg [dreg:$0xb];
	[sflag:s20] =	ssyncadd.s32 $0xFFFFD800  }
0x162: {  	[tilespmem:s14], [sflag:$0x2] =	stream.indirect.gather [hbm4b:s5+s12], $0x80, s8, s12, $0xb8;
	[tilespmem:$0x1EC00] =	vst v63  }
0x163: {  	_ =	swait.ge [sflag:s21], $0x2800  }
0x164: {  	[sflag:s21] =	ssyncset.done $0x0  }
0x165: {  	s9 =	rddreg [dreg:$0xc];
	[sflag:s21] =	ssyncadd.s32 $0xFFFFD800  }
0x166: {  	[spmem:s2] =	stream.indirect.scatter.add.f32 [tilespmem:s15], [sflag:$0x7], $0x80, s9, s12, $0xb8;
	[tilespmem:$0x1EC00] =	vst v63  }
0x167: {  	_ =	swait.ge [sflag:s22], $0x2800  }
0x168: {  	[sflag:s22] =	ssyncset.done $0x0  }
0x169: {  	s7 =	rddreg [dreg:$0xd];
	[sflag:s22] =	ssyncadd.s32 $0xFFFFD800  }
0x16a: {  	[tilespmem:s15], [sflag:$0x3] =	stream.indirect.gather [hbm4b:s5+s12], $0x80, s7, s12, $0xb8;
	[tilespmem:$0x1EC00] =	vst v63  }
0x16b: {  	_ =	swait.ge [sflag:s23], $0x2800  }
0x16c: {  	[sflag:s23] =	ssyncset.done $0x0  }
0x16d: {  	s8 =	rddreg [dreg:$0xe];
	[sflag:s23] =	ssyncadd.s32 $0xFFFFD800  }
0x16e: {  	[spmem:s2] =	stream.indirect.scatter.add.f32 [tilespmem:s16], [sflag:$0x8], $0x80, s8, s12, $0xb8;
	[tilespmem:$0x1EC00] =	vst v63  }
0x16f: {  	_ =	swait.ge [sflag:s24], $0x2800  }
0x170: {  	[sflag:s24] =	ssyncset.done $0x0  }
0x171: {  	s9 =	rddreg [dreg:$0xf];
	[sflag:s24] =	ssyncadd.s32 $0xFFFFD800  }
0x172: {  	[tilespmem:s16], [sflag:$0x4] =	stream.indirect.gather [hbm4b:s5+s12], $0x80, s9, s12, $0xb8;
	[tilespmem:$0x1EC00] =	vst v63  }
0x173: {  	_ =	swait.ge [sflag:s17], $0x2800  }
0x174: {  	[sflag:s17] =	ssyncset.done $0x0  }
0x175: {  	s7 =	rddreg [dreg:$0x10];
	[sflag:s17] =	ssyncadd.s32 $0xFFFFD800  }
0x176: {  	[spmem:s2] =	stream.indirect.scatter.add.f32 [tilespmem:s13], [sflag:$0x5], $0x80, s7, s12, $0xb8;
	[tilespmem:$0x1EC00] =	vst v63  }
0x177: {  	_ =	swait.ge [sflag:s18], $0x2800  }
0x178: {  	[sflag:s18] =	ssyncset.done $0x0  }
0x179: {  	s8 =	rddreg [dreg:$0x11];
	[sflag:s18] =	ssyncadd.s32 $0xFFFFD800  }
0x17a: {  	[tilespmem:s13], [sflag:$0x1] =	stream.indirect.gather [hbm4b:s5+s12], $0x80, s8, s12, $0xb8;
	[tilespmem:$0x1EC00] =	vst v63  }
0x17b: {  	_ =	swait.ge [sflag:s19], $0x2800  }
0x17c: {  	[sflag:s19] =	ssyncset.done $0x0  }
0x17d: {  	s9 =	rddreg [dreg:$0x12];
	[sflag:s19] =	ssyncadd.s32 $0xFFFFD800  }
0x17e: {  	[spmem:s2] =	stream.indirect.scatter.add.f32 [tilespmem:s14], [sflag:$0x6], $0x80, s9, s12, $0xb8;
	[tilespmem:$0x1EC00] =	vst v63  }
0x17f: {  	_ =	swait.ge [sflag:s20], $0x2800  }
0x180: {  	[sflag:s20] =	ssyncset.done $0x0  }
0x181: {  	s7 =	rddreg [dreg:$0x13];
	[sflag:s20] =	ssyncadd.s32 $0xFFFFD800  }
0x182: {  	[tilespmem:s14], [sflag:$0x2] =	stream.indirect.gather [hbm4b:s5+s12], $0x80, s7, s12, $0xb8;
	[tilespmem:$0x1EC00] =	vst v63  }
0x183: {  	_ =	swait.ge [sflag:s21], $0x2800  }
0x184: {  	[sflag:s21] =	ssyncset.done $0x0  }
0x185: {  	s8 =	rddreg [dreg:$0x14];
	[sflag:s21] =	ssyncadd.s32 $0xFFFFD800  }
0x186: {  	[spmem:s2] =	stream.indirect.scatter.add.f32 [tilespmem:s15], [sflag:$0x7], $0x80, s8, s12, $0xb8;
	[tilespmem:$0x1EC00] =	vst v63  }
0x187: {  	_ =	swait.ge [sflag:s22], $0x2800  }
0x188: {  	[sflag:s22] =	ssyncset.done $0x0  }
0x189: {  	s9 =	rddreg [dreg:$0x15];
	[sflag:s22] =	ssyncadd.s32 $0xFFFFD800  }
0x18a: {  	[tilespmem:s15], [sflag:$0x3] =	stream.indirect.gather [hbm4b:s5+s12], $0x80, s9, s12, $0xb8;
	[tilespmem:$0x1EC00] =	vst v63  }
0x18b: {  	_ =	swait.ge [sflag:s23], $0x2800  }
0x18c: {  	[sflag:s23] =	ssyncset.done $0x0  }
0x18d: {  	s7 =	rddreg [dreg:$0x16];
	[sflag:s23] =	ssyncadd.s32 $0xFFFFD800  }
0x18e: {  	[spmem:s2] =	stream.indirect.scatter.add.f32 [tilespmem:s16], [sflag:$0x8], $0x80, s7, s12, $0xb8;
	[tilespmem:$0x1EC00] =	vst v63  }
0x18f: {  	_ =	swait.ge [sflag:s24], $0x2800  }
0x190: {  	[sflag:s24] =	ssyncset.done $0x0  }
0x191: {  	s8 =	rddreg [dreg:$0x17];
	[sflag:s24] =	ssyncadd.s32 $0xFFFFD800  }
0x192: {  	[tilespmem:s16], [sflag:$0x4] =	stream.indirect.gather [hbm4b:s5+s12], $0x80, s8, s12, $0xb8;
	[tilespmem:$0x1EC00] =	vst v63  }
0x193: {  	_ =	swait.ge [sflag:s17], $0x2800  }
0x194: {  	[sflag:s17] =	ssyncset.done $0x0  }
0x195: {  	s9 =	rddreg [dreg:$0x18];
	[sflag:s17] =	ssyncadd.s32 $0xFFFFD800  }
0x196: {  	[spmem:s2] =	stream.indirect.scatter.add.f32 [tilespmem:s13], [sflag:$0x5], $0x80, s9, s12, $0xb8;
	[tilespmem:$0x1EC00] =	vst v63  }
0x197: {  	_ =	swait.ge [sflag:s18], $0x2800  }
0x198: {  	[sflag:s18] =	ssyncset.done $0x0  }
0x199: {  	s7 =	rddreg [dreg:$0x19];
	[sflag:s18] =	ssyncadd.s32 $0xFFFFD800  }
0x19a: {  	[tilespmem:s13], [sflag:$0x1] =	stream.indirect.gather [hbm4b:s5+s12], $0x80, s7, s12, $0xb8;
	[tilespmem:$0x1EC00] =	vst v63  }
0x19b: {  	_ =	swait.ge [sflag:s19], $0x2800  }
0x19c: {  	[sflag:s19] =	ssyncset.done $0x0  }
0x19d: {  	s8 =	rddreg [dreg:$0x1a];
	[sflag:s19] =	ssyncadd.s32 $0xFFFFD800  }
0x19e: {  	[spmem:s2] =	stream.indirect.scatter.add.f32 [tilespmem:s14], [sflag:$0x6], $0x80, s8, s12, $0xb8;
	[tilespmem:$0x1EC00] =	vst v63  }
0x19f: {  	_ =	swait.ge [sflag:s20], $0x2800  }
0x1a0: {  	[sflag:s20] =	ssyncset.done $0x0  }
0x1a1: {  	[sflag:s20] =	ssyncadd.s32 $0xFFFFD800  }
0x1a2: {  	[tilespmem:s14], [sflag:$0x2] =	stream.indirect.gather [hbm4b:s5+s12], $0x80, s25, s12, $0xb8;
	[tilespmem:$0x1EC00] =	vst v63  }
0x1a3: {  	_ =	swait.ge [sflag:s21], $0x2800  }
0x1a4: {  	[sflag:s21] =	ssyncset.done $0x0  }
0x1a5: {  	[sflag:s21] =	ssyncadd.s32 $0xFFFFD800  }
0x1a6: {  	[spmem:s2] =	stream.indirect.scatter.add.f32 [tilespmem:s15], [sflag:$0x7], $0x80, s26, s12, $0xb8;
	[tilespmem:$0x1EC00] =	vst v63  }
0x1a7: {  	_ =	swait.ge [sflag:s22], $0x2800  }
0x1a8: {  	[sflag:s22] =	ssyncset.done $0x0  }
0x1a9: {  	[sflag:s22] =	ssyncadd.s32 $0xFFFFD800  }
0x1aa: {  	[tilespmem:s15], [sflag:$0x3] =	stream.indirect.gather [hbm4b:s5+s12], $0x80, s28, s12, $0xb8;
	[tilespmem:$0x1EC00] =	vst v63  }
0x1ab: {  	_ =	swait.ge [sflag:s23], $0x2800  }
0x1ac: {  	[sflag:s23] =	ssyncset.done $0x0  }
0x1ad: {  	[sflag:s23] =	ssyncadd.s32 $0xFFFFD800  }
0x1ae: {  	[spmem:s2] =	stream.indirect.scatter.add.f32 [tilespmem:s16], [sflag:$0x8], $0x80, s29, s12, $0xb8;
	[tilespmem:$0x1EC00] =	vst v63  }
0x1af: {  	_ =	swait.ge [sflag:s24], $0x2800  }
0x1b0: {  	[sflag:s24] =	ssyncset.done $0x0  }
0x1b1: {  	[sflag:s24] =	ssyncadd.s32 $0xFFFFD800  }
0x1b2: {  	[tilespmem:s16], [sflag:$0x4] =	stream.indirect.gather [hbm4b:s5+s12], $0x80, s30, s12, $0xb8;
	[tilespmem:$0x1EC00] =	vst v63  }
0x1b3: {  	_ =	swait.ge [sflag:s17], $0x2800  }
0x1b4: {  	[sflag:s17] =	ssyncset.done $0x0  }
0x1b5: {  	[sflag:s17] =	ssyncadd.s32 $0xFFFFD800  }
0x1b6: {  	[spmem:s2] =	stream.indirect.scatter.add.f32 [tilespmem:s13], [sflag:$0x5], $0x80, s31, s12, $0xb8;
	[tilespmem:$0x1EC00] =	vst v63  }
0x1b7: {  	_ =	swait.ge [sflag:s18], $0x2800  }
0x1b8: {  	[sflag:s18] =	ssyncset.done $0x0  }
0x1b9: {  	[sflag:s18] =	ssyncadd.s32 $0xFFFFD800  }
0x1ba: {  	_ =	swait.ge [sflag:s19], $0x2800  }
0x1bb: {  	[sflag:s19] =	ssyncset.done $0x0  }
0x1bc: {  	[sflag:s19] =	ssyncadd.s32 $0xFFFFD800  }
0x1bd: {  	[spmem:s2] =	stream.indirect.scatter.add.f32 [tilespmem:s14], [sflag:$0x6], $0x80, s0, s12, $0xb8;
	[tilespmem:$0x1EC00] =	vst v63  }
0x1be: {  	_ =	swait.ge [sflag:s20], $0x2800  }
0x1bf: {  	[sflag:s20] =	ssyncset.done $0x0  }
0x1c0: {  	[sflag:s20] =	ssyncadd.s32 $0xFFFFD800  }
0x1c1: {  	_ =	swait.ge [sflag:s21], $0x2800  }
0x1c2: {  	[sflag:s21] =	ssyncset.done $0x0  }
0x1c3: {  	[sflag:s21] =	ssyncadd.s32 $0xFFFFD800  }
0x1c4: {  	[spmem:s2] =	stream.indirect.scatter.add.f32 [tilespmem:s15], [sflag:$0x7], $0x80, s3, s12, $0xb8;
	[tilespmem:$0x1EC00] =	vst v63  }
0x1c5: {  	_ =	swait.ge [sflag:s22], $0x2800  }
0x1c6: {  	[sflag:s22] =	ssyncset.done $0x0  }
0x1c7: {  	[sflag:s22] =	ssyncadd.s32 $0xFFFFD800  }
0x1c8: {  	_ =	swait.ge [sflag:s23], $0x2800  }
0x1c9: {  	[sflag:s23] =	ssyncset.done $0x0  }
0x1ca: {  	[sflag:s23] =	ssyncadd.s32 $0xFFFFD800  }
0x1cb: {  	[spmem:s2] =	stream.indirect.scatter.add.f32 [tilespmem:s16], [sflag:$0x8], $0x80, s1, s12, $0xb8;
	[tilespmem:$0x1EC00] =	vst v63  }
0x1cc: {  	_ =	swait.ge [sflag:s24], $0x2800  }
0x1cd: {  	[sflag:s24] =	ssyncset.done $0x0  }
0x1ce: {  	[sflag:s24] =	ssyncadd.s32 $0xFFFFD800  }
0x1cf: {  	[bflag:$0x0] =	sbarrier.arrive $0xFFFF  }
0x1d0: {  	s7 =	rddreg [dreg:$0x1b]  }
0x1d1: {  	s9 =	rddreg [dreg:$0x1c]  }
0x1d2: {  	s8 =	rddreg [dreg:$0x1e]  }
0x1d3: {  	[hbm:s9], [sflag:s7] =	dma.local [spmem:s8], $0x2780  }
0x1d4: {  	_ =	swait.ge [sflag:s10], $0x2780  }
0x1d5: {  	s6 =	rddreg [dreg:$0x1f]  }
0x1d6: {  	s9 =	sadd.s32 $0x1, s6;
	s6 =	rddreg [dreg:$0x1d]  }
0x1d7: {  	p0 =	sne.s32 s9, s6  }
.Ltmp1:
0x1d8: {  	_ = 	snop;
	(pc) =	sbr.rel @p0 .LBB2_1-.Ltmp1, $3  }
0x1d9: {  	_ =	sdelay $0x1  }
0x1da: {  	[sflag:s10] =	ssyncset.done $0x0  }
0x1db: {  	[sflag:s10] =	ssyncadd.s32 $0xFFFFD880  }
0x1dc: {  	_ =	sfence.sel $0x180000  }
0x1dd: {  	[bflag:$0x0] =	sbarrier.arrive $0xFFFF  }
0x1de: {  	_ =	strace $0x9000004A  }
0x1df: {  	s0 =	stileid.u32;
	[bflag:$0x2] =	sbarrier.arrive $0xFFFF  }
0x1e0: {  	p0 =	sne.s32 s0, $0x0;
	s0 =	rddreg [dreg:$0x3]  }
0x1e1: {  	s0 =	sadd.s32 @!p0 $0x100000, s0  }
0x1e2: {  	[sflag:s0] =	ssyncadd.tile.s32 @!p0 $0x1;
	_ =	shalt  }
.Lfunc_end2:
_tile_overlayer_lowered:
.L_overlay_start_2:
0x1e3: {  	(tag) =	ssettag $0x2  }
0x1e4: {  	s0 =	rddreg [dreg:$0x0];
	s2 =	stileid.u32  }
0x1e5: {  	s1 =	rddreg [dreg:$0x1];
	p0 =	sne.s32 s2, $0x0  }
0x1e6: {  	s3 =	rddreg [dreg:$0x2];
	[bflag:$0x3] =	sbarrier.arrive $0xFFFF;
	s2 =	simm.s32 @!p0 $0x1C09  }
0x1e7: {  	[timem:s3], [sflag:s2] =	dma.local @!p0 [hbm:s0], s1  }
0x1e8: {  	s0 =	simm.s32 @!p0 $0x9  }
0x1e9: {  	_ =	swait.ge @!p0 [sflag:s0], s1  }
0x1ea: {  	s1 =	ssub.s32 @!p0 $0x0, s1;
	[sflag:s0] =	ssyncset.done @!p0 $0x0  }
0x1eb: {  	[sflag:s0] =	ssyncadd.s32 @!p0 s1  }
0x1ec: {  	[bflag:$0x3] =	sbarrier.arrive $0xFFFF  }
0x1ed: {  	_ =	shalt  }

</sc_bundles>
